<compile_context>
chip_gen: v7x
topology: tpu7x:2x2x1
jax: 0.10.2.dev20260603
libtpu: 0.0.44.dev20260713+nightly
codegen_flags: <defaults>
</compile_context>

<pallas_src>
import functools

import jax
import jax.numpy as jnp
from jax import lax
from jax.experimental import pallas as pl
from jax.experimental.pallas import tpu as pltpu
from jax.experimental.pallas import tpu_sc as plsc

_NUM_EXPERTS = 64
_TOP_K = 8
_L = 16
_NC = 2
_NS = 16
_NW = _NC * _NS


def _mm_body(x_ref, wt_ref, b_ref, out_ref):
    out_ref[...] = (
        jnp.dot(x_ref[...], wt_ref[...], preferred_element_type=jnp.float32)
        + b_ref[...]
    )


def _matmul_logits(mh_output, wt, b2, rows, row_start, TM=1024):
    M, K = mh_output.shape
    N = wt.shape[1]
    blk0 = row_start // TM
    return pl.pallas_call(
        _mm_body,
        grid=(rows // TM,),
        in_specs=[
            pl.BlockSpec((TM, K), lambda i: (i + blk0, 0)),
            pl.BlockSpec((K, N), lambda i: (0, 0)),
            pl.BlockSpec((1, N), lambda i: (0, 0)),
        ],
        out_specs=pl.BlockSpec((TM, N), lambda i: (i, 0)),
        out_shape=jax.ShapeDtypeStruct((rows, N), jnp.float32),
    )(mh_output, wt, b2)


_CHUNK = 256


def _sc_router_body(rows_per_worker, logits_hbm, out_hbm, idx_hbm,
                    logits_v, out_v, idx_v):
    wid = lax.axis_index("s") * _NC + lax.axis_index("c")
    base = wid * rows_per_worker

    lane = lax.iota(jnp.int32, _L)
    front = lane < _TOP_K

    def merge(a, b, descending):
        ka, va = a
        kb, vb = b
        mk = jnp.where(front, ka, kb)
        mv = jnp.where(front, va, vb)
        return plsc.sort_key_val(mk, mv, descending=descending)

    zero16 = jnp.zeros((_L,), jnp.float32)

    def one_row(r):
        s = [
            plsc.sort_key_val(
                logits_v[r, pl.ds(j * _L, _L)],
                lane + j * _L,
                descending=(j % 2 == 0),
            )
            for j in range(4)
        ]
        t1 = merge(s[0], s[1], True)
        t2 = merge(s[2], s[3], False)
        fk, fv = merge(t1, t2, True)
        idx_v[r, :] = fv
        efk = jnp.where(front, jnp.exp(fk), jnp.float32(0.0))
        denv = lax.broadcast_in_dim(jnp.sum(efk), (_L,), ())
        probs = efk / denv
        for j in range(4):
            out_v[r, pl.ds(j * _L, _L)] = zero16
        rvec = lax.broadcast_in_dim(r, (_L,), ())
        plsc.store_scatter(out_v, [rvec, fv], probs, mask=front)

    stage = min(_CHUNK, rows_per_worker)
    for chunk in range(rows_per_worker // stage):
        cbase = base + chunk * stage
        pltpu.sync_copy(logits_hbm.at[pl.ds(cbase, stage)], logits_v)

        @plsc.parallel_loop(0, stage, unroll=8)
        def _row_loop(r):
            one_row(r)

        pltpu.sync_copy(out_v, out_hbm.at[pl.ds(cbase, stage)])
        pltpu.sync_copy(idx_v, idx_hbm.at[pl.ds(cbase, stage)])


def _sc_router(logits):
    M, N = logits.shape
    rows_per_worker = M // _NW
    mesh = plsc.VectorSubcoreMesh(
        core_axis_name="c", subcore_axis_name="s",
        num_cores=_NC, num_subcores=_NS,
    )
    stage = min(_CHUNK, rows_per_worker)
    body = functools.partial(_sc_router_body, rows_per_worker)
    return pl.kernel(
        body,
        out_type=[
            jax.ShapeDtypeStruct((M, N), jnp.float32),
            jax.ShapeDtypeStruct((M, _L), jnp.int32),
        ],
        mesh=mesh,
        scratch_types=[
            pltpu.VMEM((stage, N), jnp.float32),
            pltpu.VMEM((stage, N), jnp.float32),
            pltpu.VMEM((stage, _L), jnp.int32),
        ],
        compiler_params=pltpu.CompilerParams(needs_layout_passes=False),
    )(logits)


_N_CHUNKS = 2


def kernel(mh_output, W, b):
    M = mh_output.shape[0]
    N = W.shape[0]
    wt = W.T
    b2 = b.reshape(1, N)
    cm = M // _N_CHUNKS
    logits_chunks = [
        _matmul_logits(mh_output, wt, b2, cm, ci * cm)
        for ci in range(_N_CHUNKS)
    ]
    probs, idxs = [], []
    for logits in logits_chunks:
        p, i16 = _sc_router(logits)
        probs.append(p)
        idxs.append(i16[:, :_TOP_K])
    return (
        jnp.concatenate(probs, axis=0),
        jnp.concatenate(idxs, axis=0),
    )

# --- scband reference (transcript-rebuilt; emitter-appended) ---
"""Pipeline reference for scband-topk-router-8074538516584 (READ-ONLY COPY).

The authoritative reference and input builder live on the scoring server;
editing this copy changes nothing except your own understanding.
"""

import jax, jax.numpy as jnp
import numpy as np

N_EMBD = 2048
NUM_EXPERTS = 64
TOP_K = 8
N_TOKENS = 16384

def setup_inputs(seed: int = 0) -> dict:
    key = jax.random.key(seed)
    k1, k2, k3 = jax.random.split(key, 3)
    mh_output = jax.random.normal(k1, (N_TOKENS, N_EMBD), dtype=jnp.float32)
    # nn.Linear(n_embd, num_experts): weight [num_experts, n_embd], bias [num_experts]
    W = jax.random.normal(k2, (NUM_EXPERTS, N_EMBD), dtype=jnp.float32) * 0.02
    b = jax.random.normal(k3, (NUM_EXPERTS,), dtype=jnp.float32) * 0.02
    return {"mh_output": mh_output, "W": W, "b": b}

def reference(mh_output, W, b):
    # logits = self.linear(mh_output)
    logits = mh_output @ W.T + b
    # top_k_logits, indices = logits.topk(top_k, dim=-1)
    top_k_logits, indices = jax.lax.top_k(logits, TOP_K)
    # zeros = full_like(logits, -inf); sparse = zeros.scatter(-1, indices, top_k_logits)
    zeros = jnp.full_like(logits, -jnp.inf)
    rows = jnp.arange(logits.shape[0])[:, None]
    sparse_logits = zeros.at[rows, indices].set(top_k_logits)
    # router_output = softmax(sparse_logits, dim=-1)
    router_output = jax.nn.softmax(sparse_logits, axis=-1)
    return (router_output, indices)

if __name__ == "__main__":
    import jax
    _d = setup_inputs()
    print(jax.jit(kernel)(*tuple(_d.values())))

</pallas_src>

<mosaic_0001>
#map = affine_map<(d0, d1) -> (0, 0)>
module attributes {stable_mosaic.version = 14 : i64} {
  func.func @_sc_router_body(%arg0: i32, %arg1: i32, %arg2: memref<8192x64xf32, #tpu.memory_space<hbm>>, %arg3: memref<8192x64xf32, #tpu.memory_space<hbm>>, %arg4: memref<8192x16xi32, #tpu.memory_space<hbm>>, %arg5: memref<256x64xf32, #tpu.memory_space<vmem>>, %arg6: memref<256x64xf32, #tpu.memory_space<vmem>>, %arg7: memref<256x16xi32, #tpu.memory_space<vmem>>) attributes {dimension_semantics = [#tpu.dimension_semantics<core_parallel>, #tpu.dimension_semantics<subcore_parallel>], iteration_bounds = array<i64: 2, 16>, scalar_prefetch = 0 : i64, scratch_operands = 3 : i64, tpu.core_type = #tpu.core_type<sc_vector_subcore>, window_params = [{transform_indices = #map}, {transform_indices = #map}, {transform_indices = #map}]} {
    %mul3A = arith.constant 2 : i32
    %mul3A_0 = arith.muli %arg1, %mul3A : i32
    %add3A = arith.addi %mul3A_0, %arg0 : i32
    %mul3A_1 = arith.constant 256 : i32
    %mul3A_2 = arith.muli %add3A, %mul3A_1 : i32
    %iota3A = tpu.iota {dimensions = array<i32: 0>} : vector<16xi32>
    %lt3A = arith.constant 8 : i32
    %lt3A_3 = vector.broadcast %lt3A : i32 to vector<16xi32>
    %lt3A_4 = arith.cmpi slt, %iota3A, %lt3A_3 : vector<16xi32>
    %broadcast_in_dim3A = arith.constant 0.000000e+00 : f32
    %broadcast_in_dim3A_5 = vector.broadcast %broadcast_in_dim3A : f32 to vector<16xf32>
    %add3A_6 = arith.constant 0 : i32
    %add3A_7 = arith.addi %mul3A_2, %add3A_6 : i32
    "tpu.region"() ({
      %run_scoped3A = tpu.sem_alloc : memref<!tpu.dma_semaphore, #tpu.memory_space<semaphore_mem>>
      %dma_start3A = arith.constant 0 : i32
      %dma_start3A_10 = tpu.memref_slice %arg2[%add3A_7, %dma_start3A] : memref<8192x64xf32, #tpu.memory_space<hbm>> -> memref<256x64xf32, #tpu.memory_space<hbm>>
      %dma_start3A_11 = arith.constant 0 : i32
      %dma_start3A_12 = tpu.memref_slice %arg2[%add3A_7, %dma_start3A_11] : memref<8192x64xf32, #tpu.memory_space<hbm>> -> memref<256x64xf32, #tpu.memory_space<hbm>>
      tpu.enqueue_dma source(%dma_start3A_12 : memref<256x64xf32, #tpu.memory_space<hbm>>) target(%arg5 : memref<256x64xf32, #tpu.memory_space<vmem>>) target_semaphore(%run_scoped3A : memref<!tpu.dma_semaphore, #tpu.memory_space<semaphore_mem>>)
      %dma_wait3A = arith.constant 0 : i32
      %dma_wait3A_13 = tpu.memref_slice %arg2[%add3A_7, %dma_wait3A] : memref<8192x64xf32, #tpu.memory_space<hbm>> -> memref<256x64xf32, #tpu.memory_space<hbm>>
      %dma_wait3A_14 = arith.constant 0 : i32
      %dma_wait3A_15 = tpu.memref_slice %arg2[%add3A_7, %dma_wait3A_14] : memref<8192x64xf32, #tpu.memory_space<hbm>> -> memref<256x64xf32, #tpu.memory_space<hbm>>
      tpu.wait_dma2 semaphore(%run_scoped3A : memref<!tpu.dma_semaphore, #tpu.memory_space<semaphore_mem>>) src(%dma_wait3A_15 : memref<256x64xf32, #tpu.memory_space<hbm>>) dst(%arg5 : memref<256x64xf32, #tpu.memory_space<vmem>>)
      tpu.yield
    }) : () -> ()
    %parallel_loop3A = arith.constant 0 : i32
    %parallel_loop3A_8 = arith.constant 256 : i32
    %parallel_loop3A_9 = arith.constant 1 : i32
    scf.for %parallel_loop3A_10 = %parallel_loop3A to %parallel_loop3A_8 step %parallel_loop3A_9  : i32 {
      %parallel_loop3A_11 = arith.index_cast %parallel_loop3A_10 : i32 to index
      %parallel_loop3A_12 = arith.constant 0 : index
      %parallel_loop3A_13 = tpu.vector_load %arg5[%parallel_loop3A_11, %parallel_loop3A_12] {strides = array<i32>} : memref<256x64xf32, #tpu.memory_space<vmem>>, vector<16xf32>,
      %parallel_loop3A_14 = arith.constant 0 : i32
      %parallel_loop3A_15 = vector.broadcast %parallel_loop3A_14 : i32 to vector<16xi32>
      %parallel_loop3A_16 = arith.addi %iota3A, %parallel_loop3A_15 : vector<16xi32>
      %parallel_loop3A_17 = arith.constant dense<true> : vector<16xi1>
      %parallel_loop3A_18, %parallel_loop3A_19, %parallel_loop3A_20 = tpu.sort %parallel_loop3A_13, %parallel_loop3A_16 masked %parallel_loop3A_17 {descending = true} : (vector<16xf32>, vector<16xi32>, vector<16xi1>) -> (vector<16xi1>, vector<16xf32>, vector<16xi32>)
      %parallel_loop3A_21 = arith.index_cast %parallel_loop3A_10 : i32 to index
      %parallel_loop3A_22 = arith.constant 16 : index
      %parallel_loop3A_23 = tpu.vector_load %arg5[%parallel_loop3A_21, %parallel_loop3A_22] {strides = array<i32>} : memref<256x64xf32, #tpu.memory_space<vmem>>, vector<16xf32>,
      %parallel_loop3A_24 = arith.constant 16 : i32
      %parallel_loop3A_25 = vector.broadcast %parallel_loop3A_24 : i32 to vector<16xi32>
      %parallel_loop3A_26 = arith.addi %iota3A, %parallel_loop3A_25 : vector<16xi32>
      %parallel_loop3A_27 = arith.constant dense<true> : vector<16xi1>
      %parallel_loop3A_28, %parallel_loop3A_29, %parallel_loop3A_30 = tpu.sort %parallel_loop3A_23, %parallel_loop3A_26 masked %parallel_loop3A_27 : (vector<16xf32>, vector<16xi32>, vector<16xi1>) -> (vector<16xi1>, vector<16xf32>, vector<16xi32>)
      %parallel_loop3A_31 = arith.index_cast %parallel_loop3A_10 : i32 to index
      %parallel_loop3A_32 = arith.constant 32 : index
      %parallel_loop3A_33 = tpu.vector_load %arg5[%parallel_loop3A_31, %parallel_loop3A_32] {strides = array<i32>} : memref<256x64xf32, #tpu.memory_space<vmem>>, vector<16xf32>,
      %parallel_loop3A_34 = arith.constant 32 : i32
      %parallel_loop3A_35 = vector.broadcast %parallel_loop3A_34 : i32 to vector<16xi32>
      %parallel_loop3A_36 = arith.addi %iota3A, %parallel_loop3A_35 : vector<16xi32>
      %parallel_loop3A_37 = arith.constant dense<true> : vector<16xi1>
      %parallel_loop3A_38, %parallel_loop3A_39, %parallel_loop3A_40 = tpu.sort %parallel_loop3A_33, %parallel_loop3A_36 masked %parallel_loop3A_37 {descending = true} : (vector<16xf32>, vector<16xi32>, vector<16xi1>) -> (vector<16xi1>, vector<16xf32>, vector<16xi32>)
      %parallel_loop3A_41 = arith.index_cast %parallel_loop3A_10 : i32 to index
      %parallel_loop3A_42 = arith.constant 48 : index
      %parallel_loop3A_43 = tpu.vector_load %arg5[%parallel_loop3A_41, %parallel_loop3A_42] {strides = array<i32>} : memref<256x64xf32, #tpu.memory_space<vmem>>, vector<16xf32>,
      %parallel_loop3A_44 = arith.constant 48 : i32
      %parallel_loop3A_45 = vector.broadcast %parallel_loop3A_44 : i32 to vector<16xi32>
      %parallel_loop3A_46 = arith.addi %iota3A, %parallel_loop3A_45 : vector<16xi32>
      %parallel_loop3A_47 = arith.constant dense<true> : vector<16xi1>
      %parallel_loop3A_48, %parallel_loop3A_49, %parallel_loop3A_50 = tpu.sort %parallel_loop3A_43, %parallel_loop3A_46 masked %parallel_loop3A_47 : (vector<16xf32>, vector<16xi32>, vector<16xi1>) -> (vector<16xi1>, vector<16xf32>, vector<16xi32>)
      %parallel_loop3A_51 = arith.select %lt3A_4, %parallel_loop3A_19, %parallel_loop3A_29 : vector<16xi1>, vector<16xf32>
      %parallel_loop3A_52 = arith.select %lt3A_4, %parallel_loop3A_20, %parallel_loop3A_30 : vector<16xi1>, vector<16xi32>
      %parallel_loop3A_53 = arith.constant dense<true> : vector<16xi1>
      %parallel_loop3A_54, %parallel_loop3A_55, %parallel_loop3A_56 = tpu.sort %parallel_loop3A_51, %parallel_loop3A_52 masked %parallel_loop3A_53 {descending = true} : (vector<16xf32>, vector<16xi32>, vector<16xi1>) -> (vector<16xi1>, vector<16xf32>, vector<16xi32>)
      %parallel_loop3A_57 = arith.select %lt3A_4, %parallel_loop3A_39, %parallel_loop3A_49 : vector<16xi1>, vector<16xf32>
      %parallel_loop3A_58 = arith.select %lt3A_4, %parallel_loop3A_40, %parallel_loop3A_50 : vector<16xi1>, vector<16xi32>
      %parallel_loop3A_59 = arith.constant dense<true> : vector<16xi1>
      %parallel_loop3A_60, %parallel_loop3A_61, %parallel_loop3A_62 = tpu.sort %parallel_loop3A_57, %parallel_loop3A_58 masked %parallel_loop3A_59 : (vector<16xf32>, vector<16xi32>, vector<16xi1>) -> (vector<16xi1>, vector<16xf32>, vector<16xi32>)
      %parallel_loop3A_63 = arith.select %lt3A_4, %parallel_loop3A_55, %parallel_loop3A_61 : vector<16xi1>, vector<16xf32>
      %parallel_loop3A_64 = arith.select %lt3A_4, %parallel_loop3A_56, %parallel_loop3A_62 : vector<16xi1>, vector<16xi32>
      %parallel_loop3A_65 = arith.constant dense<true> : vector<16xi1>
      %parallel_loop3A_66, %parallel_loop3A_67, %parallel_loop3A_68 = tpu.sort %parallel_loop3A_63, %parallel_loop3A_64 masked %parallel_loop3A_65 {descending = true} : (vector<16xf32>, vector<16xi32>, vector<16xi1>) -> (vector<16xi1>, vector<16xf32>, vector<16xi32>)
      %parallel_loop3A_69 = arith.index_cast %parallel_loop3A_10 : i32 to index
      %parallel_loop3A_70 = arith.constant 0 : index
      %parallel_loop3A_71 = tpu.vector_load %arg7[%parallel_loop3A_69, %parallel_loop3A_70] {strides = array<i32>} : memref<256x16xi32, #tpu.memory_space<vmem>>, vector<16xi32>,
      tpu.vector_store %arg7[%parallel_loop3A_69, %parallel_loop3A_70], %parallel_loop3A_68 {strides = array<i32>} : memref<256x16xi32, #tpu.memory_space<vmem>>, vector<16xi32>,
      %parallel_loop3A_72 = math.exp %parallel_loop3A_67 : vector<16xf32>
      %parallel_loop3A_73 = arith.constant 0.000000e+00 : f32
      %parallel_loop3A_74 = vector.broadcast %parallel_loop3A_73 : f32 to vector<16xf32>
      %parallel_loop3A_75 = arith.select %lt3A_4, %parallel_loop3A_72, %parallel_loop3A_74 : vector<16xi1>, vector<16xf32>
      %parallel_loop3A_76 = arith.constant true
      %parallel_loop3A_77 = vector.broadcast %parallel_loop3A_76 : i1 to vector<16xi1>
      %parallel_loop3A_78 = tpu.scan <sum>, %parallel_loop3A_75 masked %parallel_loop3A_77 : vector<16xf32>, vector<16xi1> -> vector<16xf32>
      %parallel_loop3A_79 = vector.extract %parallel_loop3A_78[15] : f32 from vector<16xf32>
      %parallel_loop3A_80 = vector.broadcast %parallel_loop3A_79 : f32 to vector<16xf32>
      %parallel_loop3A_81 = arith.divf %parallel_loop3A_75, %parallel_loop3A_80 : vector<16xf32>
      %parallel_loop3A_82 = arith.index_cast %parallel_loop3A_10 : i32 to index
      %parallel_loop3A_83 = arith.constant 0 : index
      %parallel_loop3A_84 = tpu.vector_load %arg6[%parallel_loop3A_82, %parallel_loop3A_83] {strides = array<i32>} : memref<256x64xf32, #tpu.memory_space<vmem>>, vector<16xf32>,
      tpu.vector_store %arg6[%parallel_loop3A_82, %parallel_loop3A_83], %broadcast_in_dim3A_5 {strides = array<i32>} : memref<256x64xf32, #tpu.memory_space<vmem>>, vector<16xf32>,
      %parallel_loop3A_85 = arith.index_cast %parallel_loop3A_10 : i32 to index
      %parallel_loop3A_86 = arith.constant 16 : index
      %parallel_loop3A_87 = tpu.vector_load %arg6[%parallel_loop3A_85, %parallel_loop3A_86] {strides = array<i32>} : memref<256x64xf32, #tpu.memory_space<vmem>>, vector<16xf32>,
      tpu.vector_store %arg6[%parallel_loop3A_85, %parallel_loop3A_86], %broadcast_in_dim3A_5 {strides = array<i32>} : memref<256x64xf32, #tpu.memory_space<vmem>>, vector<16xf32>,
      %parallel_loop3A_88 = arith.index_cast %parallel_loop3A_10 : i32 to index
      %parallel_loop3A_89 = arith.constant 32 : index
      %parallel_loop3A_90 = tpu.vector_load %arg6[%parallel_loop3A_88, %parallel_loop3A_89] {strides = array<i32>} : memref<256x64xf32, #tpu.memory_space<vmem>>, vector<16xf32>,
      tpu.vector_store %arg6[%parallel_loop3A_88, %parallel_loop3A_89], %broadcast_in_dim3A_5 {strides = array<i32>} : memref<256x64xf32, #tpu.memory_space<vmem>>, vector<16xf32>,
      %parallel_loop3A_91 = arith.index_cast %parallel_loop3A_10 : i32 to index
      %parallel_loop3A_92 = arith.constant 48 : index
      %parallel_loop3A_93 = tpu.vector_load %arg6[%parallel_loop3A_91, %parallel_loop3A_92] {strides = array<i32>} : memref<256x64xf32, #tpu.memory_space<vmem>>, vector<16xf32>,
      tpu.vector_store %arg6[%parallel_loop3A_91, %parallel_loop3A_92], %broadcast_in_dim3A_5 {strides = array<i32>} : memref<256x64xf32, #tpu.memory_space<vmem>>, vector<16xf32>,
      %parallel_loop3A_94 = vector.broadcast %parallel_loop3A_10 : i32 to vector<16xi32>
      tpu.vector_store_idx %arg6[%parallel_loop3A_94, %parallel_loop3A_68], %parallel_loop3A_81 masked %lt3A_4 : memref<256x64xf32, #tpu.memory_space<vmem>>[vector<16xi32>, vector<16xi32>], vector<16xf32>, vector<16xi1>
    } {sc.loop_unroll_factor = 8 : i64, sc.parallel_access}
    "tpu.region"() ({
      %run_scoped3A = tpu.sem_alloc : memref<!tpu.dma_semaphore, #tpu.memory_space<semaphore_mem>>
      %dma_start3A = arith.constant 0 : i32
      %dma_start3A_10 = tpu.memref_slice %arg3[%add3A_7, %dma_start3A] : memref<8192x64xf32, #tpu.memory_space<hbm>> -> memref<256x64xf32, #tpu.memory_space<hbm>>
      %dma_start3A_11 = arith.constant 0 : i32
      %dma_start3A_12 = tpu.memref_slice %arg3[%add3A_7, %dma_start3A_11] : memref<8192x64xf32, #tpu.memory_space<hbm>> -> memref<256x64xf32, #tpu.memory_space<hbm>>
      tpu.enqueue_dma source(%arg6 : memref<256x64xf32, #tpu.memory_space<vmem>>) target(%dma_start3A_12 : memref<256x64xf32, #tpu.memory_space<hbm>>) target_semaphore(%run_scoped3A : memref<!tpu.dma_semaphore, #tpu.memory_space<semaphore_mem>>)
      %dma_wait3A = arith.constant 0 : i32
      %dma_wait3A_13 = tpu.memref_slice %arg3[%add3A_7, %dma_wait3A] : memref<8192x64xf32, #tpu.memory_space<hbm>> -> memref<256x64xf32, #tpu.memory_space<hbm>>
      %dma_wait3A_14 = arith.constant 0 : i32
      %dma_wait3A_15 = tpu.memref_slice %arg3[%add3A_7, %dma_wait3A_14] : memref<8192x64xf32, #tpu.memory_space<hbm>> -> memref<256x64xf32, #tpu.memory_space<hbm>>
      tpu.wait_dma2 semaphore(%run_scoped3A : memref<!tpu.dma_semaphore, #tpu.memory_space<semaphore_mem>>) src(%arg6 : memref<256x64xf32, #tpu.memory_space<vmem>>) dst(%dma_wait3A_15 : memref<256x64xf32, #tpu.memory_space<hbm>>)
      tpu.yield
    }) : () -> ()
    "tpu.region"() ({
      %run_scoped3A = tpu.sem_alloc : memref<!tpu.dma_semaphore, #tpu.memory_space<semaphore_mem>>
      %dma_start3A = arith.constant 0 : i32
      %dma_start3A_10 = tpu.memref_slice %arg4[%add3A_7, %dma_start3A] : memref<8192x16xi32, #tpu.memory_space<hbm>> -> memref<256x16xi32, #tpu.memory_space<hbm>>
      %dma_start3A_11 = arith.constant 0 : i32
      %dma_start3A_12 = tpu.memref_slice %arg4[%add3A_7, %dma_start3A_11] : memref<8192x16xi32, #tpu.memory_space<hbm>> -> memref<256x16xi32, #tpu.memory_space<hbm>>
      tpu.enqueue_dma source(%arg7 : memref<256x16xi32, #tpu.memory_space<vmem>>) target(%dma_start3A_12 : memref<256x16xi32, #tpu.memory_space<hbm>>) target_semaphore(%run_scoped3A : memref<!tpu.dma_semaphore, #tpu.memory_space<semaphore_mem>>)
      %dma_wait3A = arith.constant 0 : i32
      %dma_wait3A_13 = tpu.memref_slice %arg4[%add3A_7, %dma_wait3A] : memref<8192x16xi32, #tpu.memory_space<hbm>> -> memref<256x16xi32, #tpu.memory_space<hbm>>
      %dma_wait3A_14 = arith.constant 0 : i32
      %dma_wait3A_15 = tpu.memref_slice %arg4[%add3A_7, %dma_wait3A_14] : memref<8192x16xi32, #tpu.memory_space<hbm>> -> memref<256x16xi32, #tpu.memory_space<hbm>>
      tpu.wait_dma2 semaphore(%run_scoped3A : memref<!tpu.dma_semaphore, #tpu.memory_space<semaphore_mem>>) src(%arg7 : memref<256x16xi32, #tpu.memory_space<vmem>>) dst(%dma_wait3A_15 : memref<256x16xi32, #tpu.memory_space<hbm>>)
      tpu.yield
    }) : () -> ()
    return
  }
}

#map = affine_map<(d0, d1) -> (0, 0)>
module attributes {stable_mosaic.version = 14 : i64} {
  func.func @_sc_router_body(%arg0: i32, %arg1: i32, %arg2: memref<8192x64xf32, #tpu.memory_space<hbm>>, %arg3: memref<8192x64xf32, #tpu.memory_space<hbm>>, %arg4: memref<8192x16xi32, #tpu.memory_space<hbm>>, %arg5: memref<256x64xf32, #tpu.memory_space<vmem>>, %arg6: memref<256x64xf32, #tpu.memory_space<vmem>>, %arg7: memref<256x16xi32, #tpu.memory_space<vmem>>) attributes {dimension_semantics = [#tpu.dimension_semantics<core_parallel>, #tpu.dimension_semantics<subcore_parallel>], iteration_bounds = array<i64: 2, 16>, scalar_prefetch = 0 : i64, scratch_operands = 3 : i64, tpu.core_type = #tpu.core_type<sc_vector_subcore>, window_params = [{transform_indices = #map}, {transform_indices = #map}, {transform_indices = #map}]} {
    %mul3A = arith.constant 2 : i32
    %mul3A_0 = arith.muli %arg1, %mul3A : i32
    %add3A = arith.addi %mul3A_0, %arg0 : i32
    %mul3A_1 = arith.constant 256 : i32
    %mul3A_2 = arith.muli %add3A, %mul3A_1 : i32
    %iota3A = tpu.iota {dimensions = array<i32: 0>} : vector<16xi32>
    %lt3A = arith.constant 8 : i32
    %lt3A_3 = vector.broadcast %lt3A : i32 to vector<16xi32>
    %lt3A_4 = arith.cmpi slt, %iota3A, %lt3A_3 : vector<16xi32>
    %broadcast_in_dim3A = arith.constant 0.000000e+00 : f32
    %broadcast_in_dim3A_5 = vector.broadcast %broadcast_in_dim3A : f32 to vector<16xf32>
    %add3A_6 = arith.constant 0 : i32
    %add3A_7 = arith.addi %mul3A_2, %add3A_6 : i32
    "tpu.region"() ({
      %run_scoped3A = tpu.sem_alloc : memref<!tpu.dma_semaphore, #tpu.memory_space<semaphore_mem>>
      %dma_start3A = arith.constant 0 : i32
      %dma_start3A_10 = tpu.memref_slice %arg2[%add3A_7, %dma_start3A] : memref<8192x64xf32, #tpu.memory_space<hbm>> -> memref<256x64xf32, #tpu.memory_space<hbm>>
      %dma_start3A_11 = arith.constant 0 : i32
      %dma_start3A_12 = tpu.memref_slice %arg2[%add3A_7, %dma_start3A_11] : memref<8192x64xf32, #tpu.memory_space<hbm>> -> memref<256x64xf32, #tpu.memory_space<hbm>>
      tpu.enqueue_dma source(%dma_start3A_12 : memref<256x64xf32, #tpu.memory_space<hbm>>) target(%arg5 : memref<256x64xf32, #tpu.memory_space<vmem>>) target_semaphore(%run_scoped3A : memref<!tpu.dma_semaphore, #tpu.memory_space<semaphore_mem>>)
      %dma_wait3A = arith.constant 0 : i32
      %dma_wait3A_13 = tpu.memref_slice %arg2[%add3A_7, %dma_wait3A] : memref<8192x64xf32, #tpu.memory_space<hbm>> -> memref<256x64xf32, #tpu.memory_space<hbm>>
      %dma_wait3A_14 = arith.constant 0 : i32
      %dma_wait3A_15 = tpu.memref_slice %arg2[%add3A_7, %dma_wait3A_14] : memref<8192x64xf32, #tpu.memory_space<hbm>> -> memref<256x64xf32, #tpu.memory_space<hbm>>
      tpu.wait_dma2 semaphore(%run_scoped3A : memref<!tpu.dma_semaphore, #tpu.memory_space<semaphore_mem>>) src(%dma_wait3A_15 : memref<256x64xf32, #tpu.memory_space<hbm>>) dst(%arg5 : memref<256x64xf32, #tpu.memory_space<vmem>>)
      tpu.yield
    }) : () -> ()
    %parallel_loop3A = arith.constant 0 : i32
    %parallel_loop3A_8 = arith.constant 256 : i32
    %parallel_loop3A_9 = arith.constant 1 : i32
    scf.for %parallel_loop3A_10 = %parallel_loop3A to %parallel_loop3A_8 step %parallel_loop3A_9  : i32 {
      %parallel_loop3A_11 = arith.index_cast %parallel_loop3A_10 : i32 to index
      %parallel_loop3A_12 = arith.constant 0 : index
      %parallel_loop3A_13 = tpu.vector_load %arg5[%parallel_loop3A_11, %parallel_loop3A_12] {strides = array<i32>} : memref<256x64xf32, #tpu.memory_space<vmem>>, vector<16xf32>,
      %parallel_loop3A_14 = arith.constant 0 : i32
      %parallel_loop3A_15 = vector.broadcast %parallel_loop3A_14 : i32 to vector<16xi32>
      %parallel_loop3A_16 = arith.addi %iota3A, %parallel_loop3A_15 : vector<16xi32>
      %parallel_loop3A_17 = arith.constant dense<true> : vector<16xi1>
      %parallel_loop3A_18, %parallel_loop3A_19, %parallel_loop3A_20 = tpu.sort %parallel_loop3A_13, %parallel_loop3A_16 masked %parallel_loop3A_17 {descending = true} : (vector<16xf32>, vector<16xi32>, vector<16xi1>) -> (vector<16xi1>, vector<16xf32>, vector<16xi32>)
      %parallel_loop3A_21 = arith.index_cast %parallel_loop3A_10 : i32 to index
      %parallel_loop3A_22 = arith.constant 16 : index
      %parallel_loop3A_23 = tpu.vector_load %arg5[%parallel_loop3A_21, %parallel_loop3A_22] {strides = array<i32>} : memref<256x64xf32, #tpu.memory_space<vmem>>, vector<16xf32>,
      %parallel_loop3A_24 = arith.constant 16 : i32
      %parallel_loop3A_25 = vector.broadcast %parallel_loop3A_24 : i32 to vector<16xi32>
      %parallel_loop3A_26 = arith.addi %iota3A, %parallel_loop3A_25 : vector<16xi32>
      %parallel_loop3A_27 = arith.constant dense<true> : vector<16xi1>
      %parallel_loop3A_28, %parallel_loop3A_29, %parallel_loop3A_30 = tpu.sort %parallel_loop3A_23, %parallel_loop3A_26 masked %parallel_loop3A_27 : (vector<16xf32>, vector<16xi32>, vector<16xi1>) -> (vector<16xi1>, vector<16xf32>, vector<16xi32>)
      %parallel_loop3A_31 = arith.index_cast %parallel_loop3A_10 : i32 to index
      %parallel_loop3A_32 = arith.constant 32 : index
      %parallel_loop3A_33 = tpu.vector_load %arg5[%parallel_loop3A_31, %parallel_loop3A_32] {strides = array<i32>} : memref<256x64xf32, #tpu.memory_space<vmem>>, vector<16xf32>,
      %parallel_loop3A_34 = arith.constant 32 : i32
      %parallel_loop3A_35 = vector.broadcast %parallel_loop3A_34 : i32 to vector<16xi32>
      %parallel_loop3A_36 = arith.addi %iota3A, %parallel_loop3A_35 : vector<16xi32>
      %parallel_loop3A_37 = arith.constant dense<true> : vector<16xi1>
      %parallel_loop3A_38, %parallel_loop3A_39, %parallel_loop3A_40 = tpu.sort %parallel_loop3A_33, %parallel_loop3A_36 masked %parallel_loop3A_37 {descending = true} : (vector<16xf32>, vector<16xi32>, vector<16xi1>) -> (vector<16xi1>, vector<16xf32>, vector<16xi32>)
      %parallel_loop3A_41 = arith.index_cast %parallel_loop3A_10 : i32 to index
      %parallel_loop3A_42 = arith.constant 48 : index
      %parallel_loop3A_43 = tpu.vector_load %arg5[%parallel_loop3A_41, %parallel_loop3A_42] {strides = array<i32>} : memref<256x64xf32, #tpu.memory_space<vmem>>, vector<16xf32>,
      %parallel_loop3A_44 = arith.constant 48 : i32
      %parallel_loop3A_45 = vector.broadcast %parallel_loop3A_44 : i32 to vector<16xi32>
      %parallel_loop3A_46 = arith.addi %iota3A, %parallel_loop3A_45 : vector<16xi32>
      %parallel_loop3A_47 = arith.constant dense<true> : vector<16xi1>
      %parallel_loop3A_48, %parallel_loop3A_49, %parallel_loop3A_50 = tpu.sort %parallel_loop3A_43, %parallel_loop3A_46 masked %parallel_loop3A_47 : (vector<16xf32>, vector<16xi32>, vector<16xi1>) -> (vector<16xi1>, vector<16xf32>, vector<16xi32>)
      %parallel_loop3A_51 = arith.select %lt3A_4, %parallel_loop3A_19, %parallel_loop3A_29 : vector<16xi1>, vector<16xf32>
      %parallel_loop3A_52 = arith.select %lt3A_4, %parallel_loop3A_20, %parallel_loop3A_30 : vector<16xi1>, vector<16xi32>
      %parallel_loop3A_53 = arith.constant dense<true> : vector<16xi1>
      %parallel_loop3A_54, %parallel_loop3A_55, %parallel_loop3A_56 = tpu.sort %parallel_loop3A_51, %parallel_loop3A_52 masked %parallel_loop3A_53 {descending = true} : (vector<16xf32>, vector<16xi32>, vector<16xi1>) -> (vector<16xi1>, vector<16xf32>, vector<16xi32>)
      %parallel_loop3A_57 = arith.select %lt3A_4, %parallel_loop3A_39, %parallel_loop3A_49 : vector<16xi1>, vector<16xf32>
      %parallel_loop3A_58 = arith.select %lt3A_4, %parallel_loop3A_40, %parallel_loop3A_50 : vector<16xi1>, vector<16xi32>
      %parallel_loop3A_59 = arith.constant dense<true> : vector<16xi1>
      %parallel_loop3A_60, %parallel_loop3A_61, %parallel_loop3A_62 = tpu.sort %parallel_loop3A_57, %parallel_loop3A_58 masked %parallel_loop3A_59 : (vector<16xf32>, vector<16xi32>, vector<16xi1>) -> (vector<16xi1>, vector<16xf32>, vector<16xi32>)
      %parallel_loop3A_63 = arith.select %lt3A_4, %parallel_loop3A_55, %parallel_loop3A_61 : vector<16xi1>, vector<16xf32>
      %parallel_loop3A_64 = arith.select %lt3A_4, %parallel_loop3A_56, %parallel_loop3A_62 : vector<16xi1>, vector<16xi32>
      %parallel_loop3A_65 = arith.constant dense<true> : vector<16xi1>
      %parallel_loop3A_66, %parallel_loop3A_67, %parallel_loop3A_68 = tpu.sort %parallel_loop3A_63, %parallel_loop3A_64 masked %parallel_loop3A_65 {descending = true} : (vector<16xf32>, vector<16xi32>, vector<16xi1>) -> (vector<16xi1>, vector<16xf32>, vector<16xi32>)
      %parallel_loop3A_69 = arith.index_cast %parallel_loop3A_10 : i32 to index
      %parallel_loop3A_70 = arith.constant 0 : index
      %parallel_loop3A_71 = tpu.vector_load %arg7[%parallel_loop3A_69, %parallel_loop3A_70] {strides = array<i32>} : memref<256x16xi32, #tpu.memory_space<vmem>>, vector<16xi32>,
      tpu.vector_store %arg7[%parallel_loop3A_69, %parallel_loop3A_70], %parallel_loop3A_68 {strides = array<i32>} : memref<256x16xi32, #tpu.memory_space<vmem>>, vector<16xi32>,
      %parallel_loop3A_72 = math.exp %parallel_loop3A_67 : vector<16xf32>
      %parallel_loop3A_73 = arith.constant 0.000000e+00 : f32
      %parallel_loop3A_74 = vector.broadcast %parallel_loop3A_73 : f32 to vector<16xf32>
      %parallel_loop3A_75 = arith.select %lt3A_4, %parallel_loop3A_72, %parallel_loop3A_74 : vector<16xi1>, vector<16xf32>
      %parallel_loop3A_76 = arith.constant true
      %parallel_loop3A_77 = vector.broadcast %parallel_loop3A_76 : i1 to vector<16xi1>
      %parallel_loop3A_78 = tpu.scan <sum>, %parallel_loop3A_75 masked %parallel_loop3A_77 : vector<16xf32>, vector<16xi1> -> vector<16xf32>
      %parallel_loop3A_79 = vector.extract %parallel_loop3A_78[15] : f32 from vector<16xf32>
      %parallel_loop3A_80 = vector.broadcast %parallel_loop3A_79 : f32 to vector<16xf32>
      %parallel_loop3A_81 = arith.divf %parallel_loop3A_75, %parallel_loop3A_80 : vector<16xf32>
      %parallel_loop3A_82 = arith.index_cast %parallel_loop3A_10 : i32 to index
      %parallel_loop3A_83 = arith.constant 0 : index
      %parallel_loop3A_84 = tpu.vector_load %arg6[%parallel_loop3A_82, %parallel_loop3A_83] {strides = array<i32>} : memref<256x64xf32, #tpu.memory_space<vmem>>, vector<16xf32>,
      tpu.vector_store %arg6[%parallel_loop3A_82, %parallel_loop3A_83], %broadcast_in_dim3A_5 {strides = array<i32>} : memref<256x64xf32, #tpu.memory_space<vmem>>, vector<16xf32>,
      %parallel_loop3A_85 = arith.index_cast %parallel_loop3A_10 : i32 to index
      %parallel_loop3A_86 = arith.constant 16 : index
      %parallel_loop3A_87 = tpu.vector_load %arg6[%parallel_loop3A_85, %parallel_loop3A_86] {strides = array<i32>} : memref<256x64xf32, #tpu.memory_space<vmem>>, vector<16xf32>,
      tpu.vector_store %arg6[%parallel_loop3A_85, %parallel_loop3A_86], %broadcast_in_dim3A_5 {strides = array<i32>} : memref<256x64xf32, #tpu.memory_space<vmem>>, vector<16xf32>,
      %parallel_loop3A_88 = arith.index_cast %parallel_loop3A_10 : i32 to index
      %parallel_loop3A_89 = arith.constant 32 : index
      %parallel_loop3A_90 = tpu.vector_load %arg6[%parallel_loop3A_88, %parallel_loop3A_89] {strides = array<i32>} : memref<256x64xf32, #tpu.memory_space<vmem>>, vector<16xf32>,
      tpu.vector_store %arg6[%parallel_loop3A_88, %parallel_loop3A_89], %broadcast_in_dim3A_5 {strides = array<i32>} : memref<256x64xf32, #tpu.memory_space<vmem>>, vector<16xf32>,
      %parallel_loop3A_91 = arith.index_cast %parallel_loop3A_10 : i32 to index
      %parallel_loop3A_92 = arith.constant 48 : index
      %parallel_loop3A_93 = tpu.vector_load %arg6[%parallel_loop3A_91, %parallel_loop3A_92] {strides = array<i32>} : memref<256x64xf32, #tpu.memory_space<vmem>>, vector<16xf32>,
      tpu.vector_store %arg6[%parallel_loop3A_91, %parallel_loop3A_92], %broadcast_in_dim3A_5 {strides = array<i32>} : memref<256x64xf32, #tpu.memory_space<vmem>>, vector<16xf32>,
      %parallel_loop3A_94 = vector.broadcast %parallel_loop3A_10 : i32 to vector<16xi32>
      tpu.vector_store_idx %arg6[%parallel_loop3A_94, %parallel_loop3A_68], %parallel_loop3A_81 masked %lt3A_4 : memref<256x64xf32, #tpu.memory_space<vmem>>[vector<16xi32>, vector<16xi32>], vector<16xf32>, vector<16xi1>
    } {sc.loop_unroll_factor = 8 : i64, sc.parallel_access}
    "tpu.region"() ({
      %run_scoped3A = tpu.sem_alloc : memref<!tpu.dma_semaphore, #tpu.memory_space<semaphore_mem>>
      %dma_start3A = arith.constant 0 : i32
      %dma_start3A_10 = tpu.memref_slice %arg3[%add3A_7, %dma_start3A] : memref<8192x64xf32, #tpu.memory_space<hbm>> -> memref<256x64xf32, #tpu.memory_space<hbm>>
      %dma_start3A_11 = arith.constant 0 : i32
      %dma_start3A_12 = tpu.memref_slice %arg3[%add3A_7, %dma_start3A_11] : memref<8192x64xf32, #tpu.memory_space<hbm>> -> memref<256x64xf32, #tpu.memory_space<hbm>>
      tpu.enqueue_dma source(%arg6 : memref<256x64xf32, #tpu.memory_space<vmem>>) target(%dma_start3A_12 : memref<256x64xf32, #tpu.memory_space<hbm>>) target_semaphore(%run_scoped3A : memref<!tpu.dma_semaphore, #tpu.memory_space<semaphore_mem>>)
      %dma_wait3A = arith.constant 0 : i32
      %dma_wait3A_13 = tpu.memref_slice %arg3[%add3A_7, %dma_wait3A] : memref<8192x64xf32, #tpu.memory_space<hbm>> -> memref<256x64xf32, #tpu.memory_space<hbm>>
      %dma_wait3A_14 = arith.constant 0 : i32
      %dma_wait3A_15 = tpu.memref_slice %arg3[%add3A_7, %dma_wait3A_14] : memref<8192x64xf32, #tpu.memory_space<hbm>> -> memref<256x64xf32, #tpu.memory_space<hbm>>
      tpu.wait_dma2 semaphore(%run_scoped3A : memref<!tpu.dma_semaphore, #tpu.memory_space<semaphore_mem>>) src(%arg6 : memref<256x64xf32, #tpu.memory_space<vmem>>) dst(%dma_wait3A_15 : memref<256x64xf32, #tpu.memory_space<hbm>>)
      tpu.yield
    }) : () -> ()
    "tpu.region"() ({
      %run_scoped3A = tpu.sem_alloc : memref<!tpu.dma_semaphore, #tpu.memory_space<semaphore_mem>>
      %dma_start3A = arith.constant 0 : i32
      %dma_start3A_10 = tpu.memref_slice %arg4[%add3A_7, %dma_start3A] : memref<8192x16xi32, #tpu.memory_space<hbm>> -> memref<256x16xi32, #tpu.memory_space<hbm>>
      %dma_start3A_11 = arith.constant 0 : i32
      %dma_start3A_12 = tpu.memref_slice %arg4[%add3A_7, %dma_start3A_11] : memref<8192x16xi32, #tpu.memory_space<hbm>> -> memref<256x16xi32, #tpu.memory_space<hbm>>
      tpu.enqueue_dma source(%arg7 : memref<256x16xi32, #tpu.memory_space<vmem>>) target(%dma_start3A_12 : memref<256x16xi32, #tpu.memory_space<hbm>>) target_semaphore(%run_scoped3A : memref<!tpu.dma_semaphore, #tpu.memory_space<semaphore_mem>>)
      %dma_wait3A = arith.constant 0 : i32
      %dma_wait3A_13 = tpu.memref_slice %arg4[%add3A_7, %dma_wait3A] : memref<8192x16xi32, #tpu.memory_space<hbm>> -> memref<256x16xi32, #tpu.memory_space<hbm>>
      %dma_wait3A_14 = arith.constant 0 : i32
      %dma_wait3A_15 = tpu.memref_slice %arg4[%add3A_7, %dma_wait3A_14] : memref<8192x16xi32, #tpu.memory_space<hbm>> -> memref<256x16xi32, #tpu.memory_space<hbm>>
      tpu.wait_dma2 semaphore(%run_scoped3A : memref<!tpu.dma_semaphore, #tpu.memory_space<semaphore_mem>>) src(%arg7 : memref<256x16xi32, #tpu.memory_space<vmem>>) dst(%dma_wait3A_15 : memref<256x16xi32, #tpu.memory_space<hbm>>)
      tpu.yield
    }) : () -> ()
    return
  }
}

module attributes {stable_mosaic.version = 14 : i64} {
  func.func @_mm_body(%arg0: i32, %arg1: memref<1024x2048xf32, #tpu.memory_space<vmem>>, %arg2: memref<2048x64xf32, #tpu.memory_space<vmem>>, %arg3: memref<1x64xf32, #tpu.memory_space<vmem>>, %arg4: memref<1024x64xf32, #tpu.memory_space<vmem>>) attributes {dimension_semantics = [#tpu.dimension_semantics<arbitrary>], iteration_bounds = array<i64: 8>, scalar_prefetch = 0 : i64, scratch_operands = 0 : i64, tpu.core_type = #tpu.core_type<tc>, window_params = [{transform_indices = @transform_0, window_bounds = array<i64: 1024, 2048>}, {pipeline_mode = #tpu.pipeline_mode<synchronous>, transform_indices = @transform_1, window_bounds = array<i64: 2048, 64>}, {pipeline_mode = #tpu.pipeline_mode<synchronous>, transform_indices = @transform_2, window_bounds = array<i64: 1, 64>}, {transform_indices = @transform_3, window_bounds = array<i64: 1024, 64>}]} {
    %get3A = arith.constant 0 : index
    %get3A_0 = arith.constant 0 : index
    %get3A_1 = vector.load %arg1[%get3A, %get3A_0] : memref<1024x2048xf32, #tpu.memory_space<vmem>>, vector<1024x2048xf32>
    %get3A_2 = arith.constant 0 : index
    %get3A_3 = arith.constant 0 : index
    %get3A_4 = vector.load %arg2[%get3A_2, %get3A_3] : memref<2048x64xf32, #tpu.memory_space<vmem>>, vector<2048x64xf32>
    %dot_general3A = arith.constant dense<0.000000e+00> : vector<1024x64xf32>
    %dot_general3A_5 = tpu.matmul %get3A_1, %get3A_4, %dot_general3A {dimension_numbers = #tpu.dot_dimension_numbers<[1], [0], [0], [1], [0, 0, 1, 1], [], []>, transpose_lhs_hint = false} : vector<1024x2048xf32>, vector<2048x64xf32>, vector<1024x64xf32> -> vector<1024x64xf32>
    %get3A_6 = arith.constant 0 : index
    %get3A_7 = arith.constant 0 : index
    %get3A_8 = vector.load %arg3[%get3A_6, %get3A_7] : memref<1x64xf32, #tpu.memory_space<vmem>>, vector<1x64xf32>
    %add3A = vector.broadcast %get3A_8 : vector<1x64xf32> to vector<1024x64xf32>
    %add3A_9 = arith.addf %dot_general3A_5, %add3A : vector<1024x64xf32>
    %swap3A = arith.constant 0 : index
    %swap3A_10 = arith.constant 0 : index
    %swap3A_11 = vector.load %arg4[%swap3A, %swap3A_10] : memref<1024x64xf32, #tpu.memory_space<vmem>>, vector<1024x64xf32>
    tpu.vector_store %arg4[%swap3A, %swap3A_10], %add3A_9 {strides = array<i32>} : memref<1024x64xf32, #tpu.memory_space<vmem>>, vector<1024x64xf32>,
    return
  }
  func.func @transform_0(%arg0: i32) -> (i32, i32) {
    %add3A = arith.constant 8 : i32
    %add3A_0 = arith.addi %arg0, %add3A : i32
    %c0_i32 = arith.constant 0 : i32
    %c0_i32_1 = arith.constant 0 : i32
    return %add3A_0, %c0_i32 : i32, i32
  }
  func.func @transform_1(%arg0: i32) -> (i32, i32) {
    %c0_i32 = arith.constant 0 : i32
    %c0_i32_0 = arith.constant 0 : i32
    %c0_i32_1 = arith.constant 0 : i32
    return %c0_i32, %c0_i32_0 : i32, i32
  }
  func.func @transform_2(%arg0: i32) -> (i32, i32) {
    %c0_i32 = arith.constant 0 : i32
    %c0_i32_0 = arith.constant 0 : i32
    %c0_i32_1 = arith.constant 0 : i32
    return %c0_i32, %c0_i32_0 : i32, i32
  }
  func.func @transform_3(%arg0: i32) -> (i32, i32) {
    %c0_i32 = arith.constant 0 : i32
    %c0_i32_0 = arith.constant 0 : i32
    return %arg0, %c0_i32 : i32, i32
  }
}

module attributes {stable_mosaic.version = 14 : i64} {
  func.func @_mm_body(%arg0: i32, %arg1: memref<1024x2048xf32, #tpu.memory_space<vmem>>, %arg2: memref<2048x64xf32, #tpu.memory_space<vmem>>, %arg3: memref<1x64xf32, #tpu.memory_space<vmem>>, %arg4: memref<1024x64xf32, #tpu.memory_space<vmem>>) attributes {dimension_semantics = [#tpu.dimension_semantics<arbitrary>], iteration_bounds = array<i64: 8>, scalar_prefetch = 0 : i64, scratch_operands = 0 : i64, tpu.core_type = #tpu.core_type<tc>, window_params = [{transform_indices = @transform_0, window_bounds = array<i64: 1024, 2048>}, {pipeline_mode = #tpu.pipeline_mode<synchronous>, transform_indices = @transform_1, window_bounds = array<i64: 2048, 64>}, {pipeline_mode = #tpu.pipeline_mode<synchronous>, transform_indices = @transform_2, window_bounds = array<i64: 1, 64>}, {transform_indices = @transform_3, window_bounds = array<i64: 1024, 64>}]} {
    %get3A = arith.constant 0 : index
    %get3A_0 = arith.constant 0 : index
    %get3A_1 = vector.load %arg1[%get3A, %get3A_0] : memref<1024x2048xf32, #tpu.memory_space<vmem>>, vector<1024x2048xf32>
    %get3A_2 = arith.constant 0 : index
    %get3A_3 = arith.constant 0 : index
    %get3A_4 = vector.load %arg2[%get3A_2, %get3A_3] : memref<2048x64xf32, #tpu.memory_space<vmem>>, vector<2048x64xf32>
    %dot_general3A = arith.constant dense<0.000000e+00> : vector<1024x64xf32>
    %dot_general3A_5 = tpu.matmul %get3A_1, %get3A_4, %dot_general3A {dimension_numbers = #tpu.dot_dimension_numbers<[1], [0], [0], [1], [0, 0, 1, 1], [], []>, transpose_lhs_hint = false} : vector<1024x2048xf32>, vector<2048x64xf32>, vector<1024x64xf32> -> vector<1024x64xf32>
    %get3A_6 = arith.constant 0 : index
    %get3A_7 = arith.constant 0 : index
    %get3A_8 = vector.load %arg3[%get3A_6, %get3A_7] : memref<1x64xf32, #tpu.memory_space<vmem>>, vector<1x64xf32>
    %add3A = vector.broadcast %get3A_8 : vector<1x64xf32> to vector<1024x64xf32>
    %add3A_9 = arith.addf %dot_general3A_5, %add3A : vector<1024x64xf32>
    %swap3A = arith.constant 0 : index
    %swap3A_10 = arith.constant 0 : index
    %swap3A_11 = vector.load %arg4[%swap3A, %swap3A_10] : memref<1024x64xf32, #tpu.memory_space<vmem>>, vector<1024x64xf32>
    tpu.vector_store %arg4[%swap3A, %swap3A_10], %add3A_9 {strides = array<i32>} : memref<1024x64xf32, #tpu.memory_space<vmem>>, vector<1024x64xf32>,
    return
  }
  func.func @transform_0(%arg0: i32) -> (i32, i32) {
    %add3A = arith.constant 0 : i32
    %add3A_0 = arith.addi %arg0, %add3A : i32
    %c0_i32 = arith.constant 0 : i32
    %c0_i32_1 = arith.constant 0 : i32
    return %add3A_0, %c0_i32 : i32, i32
  }
  func.func @transform_1(%arg0: i32) -> (i32, i32) {
    %c0_i32 = arith.constant 0 : i32
    %c0_i32_0 = arith.constant 0 : i32
    %c0_i32_1 = arith.constant 0 : i32
    return %c0_i32, %c0_i32_0 : i32, i32
  }
  func.func @transform_2(%arg0: i32) -> (i32, i32) {
    %c0_i32 = arith.constant 0 : i32
    %c0_i32_0 = arith.constant 0 : i32
    %c0_i32_1 = arith.constant 0 : i32
    return %c0_i32, %c0_i32_0 : i32, i32
  }
  func.func @transform_3(%arg0: i32) -> (i32, i32) {
    %c0_i32 = arith.constant 0 : i32
    %c0_i32_0 = arith.constant 0 : i32
    return %arg0, %c0_i32 : i32, i32
  }
}

</mosaic_0001>

<sc_bundles>
// kernel: kernel.6.cloned.1.call-start
scs
__scs_entry_jumppad:
0x0: {  	(pc) =	sbr.rel $0x88, $3  }
0x1: {  	(tag) =	ssettag $0x0;
	lr =	simm.s32 $0x1  }
0x2: {  	[smem:$0x3F9E] =	sst lr;
	_ =	strace $0xD0000000  }
0x3: {  	_ = 	snop  }
0x4: {  	_ = 	snop  }
0x5: {  	_ = 	snop  }
0x6: {  	_ = 	snop  }
0x7: {  	_ = 	snop  }
__scs_overlays_trampoline_lowered:
0x8: {  	[smem:$0x3FAD] =	sst s0  }
0x9: {  	[smem:$0x3FAE] =	sst s1  }
0xa: {  	[smem:$0x3FAF] =	sst s2  }
0xb: {  	[smem:$0x3FB0] =	sst s3  }
0xc: {  	[smem:$0x3FB1] =	sst s4  }
0xd: {  	[smem:$0x3FB2] =	sst s5  }
0xe: {  	[smem:$0x3FB3] =	sst s6  }
0xf: {  	[smem:$0x3FB4] =	sst s7  }
0x10: {  	[smem:$0x3FB5] =	sst s8  }
0x11: {  	[smem:$0x3FB6] =	sst s9;
	s0 =	simm.s32 @!p0 $0x0  }
0x12: {  	s1 =	sld [smem:$0x3F9C];
	s0 =	simm.s32 @p0 $0x1  }
0x13: {  	[smem:$0x3FB7] =	sst s0;
	s0 =	simm.s32 @!p1 $0x0  }
0x14: {  	s2 =	sld [smem:$0x3F9B];
	s0 =	simm.s32 @p1 $0x1  }
0x15: {  	[smem:$0x3FB8] =	sst s0;
	s0 =	simm.s32 @!p2 $0x0  }
0x16: {  	s3 =	sld [smem:$0x3FDB];
	s0 =	simm.s32 @p2 $0x1  }
0x17: {  	s4 =	simm.s32 $0x1BF5;
	[smem:$0x3FBA] =	sst s0  }
0x18: {  	s0 =	sld [smem:$0x3F9D];
	_ =	swait.ge [sflag:s4], $0x0  }
0x19: {  	s7 =	sld [smem:$0x3F9E]  }
0x1a: {  	s8 =	sadd.s32 $0xFFFFE003, lr  }
0x1b: {  	s9 =	sadd.s32 $0xFFFFFEF7, lr;
	s5 =	simm.s32 $0xFFFFFFFF;
	p2 =	slt.u32 s8, $0xFFFFF086  }
0x1c: {  	p1 =	slt.u32 s9, $0xF7A;
	s5 =	simm.s32 @!p2 $0x0  }
0x1d: {  	s5 =	simm.s32 @p1 $0x1;
	p0 =	seq.s32 s7, s2  }
0x1e: {  	s7 =	smul.u32 @!p0 $0xF7A, s2;
	p2 =	seq.s32 @!p0 s5, $0x0  }
0x1f: {  	s9 =	smul.u32 $0xF7A, s1;
	s8 =	simm.s32 @!p0 $0x1BF5;
	p2 =	por !p2, p0  }
0x20: {  	[sflag:s8] =	ssyncset.s32 @!p0 $0xFFFFF086;
	s6 =	sadd.s32 @!p0 s3, s7;
	s7 =	simm.s32 @!p0 $0x108  }
0x21: {  	s3 =	sadd.s32 s3, s9;
	s6 =	sadd.s32 @!p0 $0x88, s6;
	s7 =	simm.s32 @p2 $0x1082  }
0x22: {  	[simem:s7], [sflag:s8] =	dma.local @!p0 [hbm:s6], $0xF7A  }
0x23: {  	s9 =	sor.u32 $0xD0000000, s2;
	s6 =	simm.s32 $0x108;
	_ =	swait.ge @!p0 [sflag:s8], $0x0  }
0x24: {  	s3 =	sadd.s32 $0x88, s3;
	s6 =	simm.s32 @!p1 $0x1082;
	[sflag:s4] =	ssyncset.s32 $0xFFFFF086  }
0x25: {  	[simem:s6], [sflag:s4] =	dma.local [hbm:s3], $0xF7A  }
0x26: {  	[smem:$0x3F9E] =	sst s1;
	(tag) =	ssettag s2;
	_ =	strace s9  }
0x27: {  	s1 =	sld [smem:$0x3FAE]  }
0x28: {  	s2 =	sld [smem:$0x3FAF]  }
0x29: {  	s4 =	sld [smem:$0x3FB1]  }
0x2a: {  	p0 =	seq.s32 s5, $0x0;
	s5 =	sld [smem:$0x3FB2]  }
0x2b: {  	s6 =	sld [smem:$0x3FB3]  }
0x2c: {  	s7 =	sld [smem:$0x3FB4]  }
0x2d: {  	s3 =	simm.s32 $0x108;
	s8 =	sld [smem:$0x3FB5]  }
0x2e: {  	s3 =	simm.s32 @!p0 $0x1082;
	s9 =	sld [smem:$0x3FB6]  }
0x2f: {  	lr =	sadd.s32 s0, s3;
	s0 =	sld [smem:$0x3FAD]  }
0x30: {  	s3 =	sld [smem:$0x3FB0]  }
0x31: {  	[smem:$0x3FB9] =	sst s10  }
0x32: {  	s10 =	sld [smem:$0x3FB7];
	_ =	sdelay $0x3  }
0x33: {  	p0 =	seq.s32 s10, $0x1;
	s10 =	sld [smem:$0x3FB9];
	_ =	sdelay $0x3  }
0x34: {  	[smem:$0x3FB9] =	sst s10  }
0x35: {  	s10 =	sld [smem:$0x3FB8];
	_ =	sdelay $0x3  }
0x36: {  	p1 =	seq.s32 s10, $0x1;
	s10 =	sld [smem:$0x3FB9];
	_ =	sdelay $0x3  }
0x37: {  	[smem:$0x3FB9] =	sst s10  }
0x38: {  	s10 =	sld [smem:$0x3FBA]  }
0x39: {  	_ = 	snop;
	(pc) =	sbr.ind lr, $3  }
0x3a: {  	_ = 	snop  }
0x3b: {  	_ = 	snop  }
0x3c: {  	p2 =	seq.s32 s10, $0x1;
	s10 =	sld [smem:$0x3FB9]  }
0x3d: {  	_ =	shalt  }
0x3e: {  	_ =	shalt  }
0x3f: {  	_ =	shalt  }
0x40: {  	_ =	shalt  }
0x41: {  	_ =	shalt  }
0x42: {  	_ =	shalt  }
0x43: {  	_ =	shalt  }
0x44: {  	_ =	shalt  }
0x45: {  	_ =	shalt  }
0x46: {  	_ =	shalt  }
0x47: {  	_ =	shalt  }
0x48: {  	_ =	shalt  }
0x49: {  	_ =	shalt  }
0x4a: {  	_ =	shalt  }
0x4b: {  	_ =	shalt  }
0x4c: {  	_ =	shalt  }
0x4d: {  	_ =	shalt  }
0x4e: {  	_ =	shalt  }
0x4f: {  	_ =	shalt  }
0x50: {  	_ =	shalt  }
0x51: {  	_ =	shalt  }
0x52: {  	_ =	shalt  }
0x53: {  	_ =	shalt  }
0x54: {  	_ =	shalt  }
0x55: {  	_ =	shalt  }
0x56: {  	_ =	shalt  }
0x57: {  	_ =	shalt  }
0x58: {  	_ =	shalt  }
0x59: {  	_ =	shalt  }
0x5a: {  	_ =	shalt  }
0x5b: {  	_ =	shalt  }
0x5c: {  	_ =	shalt  }
0x5d: {  	_ =	shalt  }
0x5e: {  	_ =	shalt  }
0x5f: {  	_ =	shalt  }
0x60: {  	_ =	shalt  }
0x61: {  	_ =	shalt  }
0x62: {  	_ =	shalt  }
0x63: {  	_ =	shalt  }
0x64: {  	_ =	shalt  }
0x65: {  	_ =	shalt  }
0x66: {  	_ =	shalt  }
0x67: {  	_ =	shalt  }
0x68: {  	_ =	shalt  }
0x69: {  	_ =	shalt  }
0x6a: {  	_ =	shalt  }
0x6b: {  	_ =	shalt  }
0x6c: {  	_ =	shalt  }
0x6d: {  	_ =	shalt  }
0x6e: {  	_ =	shalt  }
0x6f: {  	_ =	shalt  }
0x70: {  	_ =	shalt  }
0x71: {  	_ =	shalt  }
0x72: {  	_ =	shalt  }
0x73: {  	_ =	shalt  }
0x74: {  	_ =	shalt  }
0x75: {  	_ =	shalt  }
0x76: {  	_ =	shalt  }
0x77: {  	_ =	shalt  }
0x78: {  	_ =	shalt  }
0x79: {  	_ =	shalt  }
0x7a: {  	_ =	shalt  }
0x7b: {  	_ =	shalt  }
0x7c: {  	_ =	shalt  }
0x7d: {  	_ =	shalt  }
0x7e: {  	_ =	shalt  }
0x7f: {  	_ =	shalt  }
0x80: {  	_ =	shalt  }
0x81: {  	_ =	shalt  }
0x82: {  	_ =	shalt  }
0x83: {  	_ =	shalt  }
0x84: {  	_ =	shalt  }
0x85: {  	_ =	shalt  }
0x86: {  	_ =	shalt  }
0x87: {  	_ =	shalt  }
.Lfunc_end0:
.L_simem_size_0:
called_computation_lowered:
.L_overlay_start_0:
0x88: {  	s2 =	sld [smem:$0x3FD9]  }
0x89: {  	s3 =	sld [smem:$0x3FFE];
	_ =	sdelay $0x1  }
0x8a: {  	s1 =	srdreg.scid  }
0x8b: {  	s0 =	sand.u32 $0x1, s1  }
0x8c: {  	s16 =	sshll.u32 s0, $0xA;
	s2 =	sadd.s32 s3, s2  }
0x8d: {  	s2 =	sadd.s32 s2, s16  }
0x8e: {  	[smem:$0x3FC5] =	sst s2  }
0x8f: {  	_ = 	snop  }
0x90: {  	(tm) =	ssettm $0x1  }
0x91: {  	s17 =	sld [smem:$0x3FFB];
	_ =	sdelay $0x3  }
0x92: {  	_ =	strace s17  }
0x93: {  	s2 =	sld [smem:$0x3FFC];
	_ =	sdelay $0x3  }
0x94: {  	_ =	strace s2  }
0x95: {  	s2 =	sld [smem:$0x3FFD];
	_ =	sdelay $0x3  }
0x96: {  	_ =	strace s2  }
0x97: {  	_ =	strace $0x8FFFFFFF  }
0x98: {  	s18 =	sld [smem:$0x3FDB];
	_ =	sdelay $0x1  }
0x99: {  	s19 =	simm.s32 $_scs_section_size  }
0x9a: {  	s4 =	simm.s32 $_size__tile_overlayer_lowered;
	s5 =	simm.s32 $_tile_overlayer_lowered  }
0x9b: {  	s22 =	simm.s32 $0x1BFF;
	s21 =	sshll.u32 s5, $0x1;
	s2 =	sadd.s32 s19, s18  }
0x9c: {  	s6 =	simm.s32 $0x0;
	s20 =	sshll.u32 s4, $0x1;
	s4 =	sadd.s32 s21, s2  }
0x9d: {  	[timem:s6], [sflag:s22] =	dma.local [hbm:s4], s20  }
0x9e: {  	_ =	swait.ge [sflag:s22], s20  }
0x9f: {  	s3 =	ssub.s32 $0x0, s20;
	[sflag:s22] =	ssyncset.done $0x0  }
0xa0: {  	[sflag:s22] =	ssyncadd.s32 s3;
	_ =	sdelay $0x1  }
0xa1: {  	s23 =	simm.s32 $0x1B8B  }
0xa2: {  	_ =	swait.ge [sflag:s23], $0x1  }
0xa3: {  	[sflag:s23] =	ssyncset.done $0x0  }
0xa4: {  	s25 =	simm.s32 $0x1B8E;
	s24 =	sld [smem:$0x3FFE];
	[sflag:s23] =	ssyncadd.s32 $0xFFFFFFFF  }
0xa5: {  	s26 =	simm.s32 $execute0_lowered;
	[smem:$0x3FD2] =	sst s25  }
0xa6: {  	s4 =	sshll.u32 s26, $0x1;
	_ =	strace $0x80000046;
	[dreg:$0x1] =	wrdreg $0xFFFFFFFF  }
0xa7: {  	s28 =	simm.s32 $_size_execute0_lowered;
	s2 =	sadd.s32 s2, s4;
	[dreg:$0x0] =	wrdreg $0x0  }
0xa8: {  	s4 =	sshll.u32 s28, $0x1;
	[dreg:$0x2] =	wrdreg s2  }
0xa9: {  	[dreg:$0x3] =	wrdreg s4  }
0xaa: {  	[dreg:$0x4] =	wrdreg $0xC0  }
0xab: {  	_ =	task [dreg:s6], $0x5FFFF  }
0xac: {  	[dreg:$0x1] =	wrdreg $0xFFFFFFFF  }
0xad: {  	[dreg:$0x0] =	wrdreg $0x60  }
0xae: {  	[dreg:$0x2] =	wrdreg s24  }
0xaf: {  	[dreg:$0x3] =	wrdreg $0x9  }
0xb0: {  	_ =	task.clear_ibuf [dreg:s6], $0x4FFFF;
	_ =	strace $0x90000046  }
0xb1: {  	s29 =	simm.s32 $0x9;
	_ =	strace $0x80000048  }
0xb2: {  	_ =	swait.ge [sflag:s29], $0x1  }
0xb3: {  	[sflag:s29] =	ssyncadd.s32 $0xFFFFFFFF  }
0xb4: {  	_ =	strace $0x90000048  }
0xb5: {  	_ =	sfence  }
0xb6: {  	s30 =	sld [smem:$0x0];
	_ =	sdelay $0x2  }
0xb7: {  	s31 =	sshll.u32 s1, $0xD;
	s1 =	sshrl.u32 s1, $0x2  }
0xb8: {  	s3 =	sand.u32 $0x4000, s31;
	s1 =	sadd.s32 s1, s30  }
0xb9: {  	s0 =	sor.u32 s3, s0;
	s1 =	sshll.u32 s1, $0x11  }
0xba: {  	s0 =	sor.u32 s1, s0  }
0xbb: {  	s0 =	sadd.s32 $0x8F2B, s0  }
0xbc: {  	[sflag:s0] =	ssyncadd.remote.s32 $0x1  }
0xbd: {  	_ =	sfence.sel $0xFFFF  }
0xbe: {  	[dreg:$0x0] =	wrdreg $0xFFFFFFFF;
	(pc) =	sbr.abs _section_cstart, $3  }
0xbf: {  	[dreg:$0x1] =	wrdreg $0xFFFFFFFF  }
0xc0: {  	_ =	task.clear_ibuf [dreg:s6], $0x2FFFF;
	_ =	strace $0x9FFFFFFF  }
0xc1: {  	(tm) =	ssettm $0x7FFFFFFF  }
tec
execute0_lowered:
.L_overlay_start_1:
0x0: {  	(tag) =	ssettag $0x1  }
0x1: {  	s3 =	rddreg [dreg:$0x0];
	s2 =	srdreg.scid  }
0x2: {  	s0 =	rddreg [dreg:$0x1];
	s1 =	stileid.u32;
	s7 =	simm.s32 $0x1  }
0x3: {  	s8 =	simm.s32 $0x8000;
	s9 =	simm.s32 $0x10000;
	s4 =	sand.u32 $0x1, s2  }
0x4: {  	s10 =	simm.s32 $0x0;
	s5 =	sshll.u32 s1, $0xD;
	s6 =	sshll.u32 s4, $0xC  }
0x5: {  	s2 =	simm.s32 $0x0;
	s4 =	ssub.s32 $0x2, s4;
	s5 =	sor.u32 s6, s5  }
0x6: {  	[smem:$0x7FF] =	sst s2;
	s30 =	sshrl.u32 s4, $0x1;
	s5 =	sadd.s32 s5, s3  }
0x7: {  	v0 =	vlaneseq.u32;
	vm0 =	vmmov $0xff;
	v4 =	vimm.f32 $0.0e+00;
	_ =	strace $0x80000047;
	s31 =	ssub.s32 s4, s30;
	s3 =	sadd.s32 $0x1A00, s5  }
0x8: {  	v1 =	vor.u32 $0x10, v0;
	v2 =	vor.u32 $0x20, v0;
	v3 =	vor.u32 $0x30, v0;
	s4 =	sadd.s32 $0x41A00, s5;
	s5 =	sadd.s32 $0x21A00, s5;
	s6 =	smax.u32 s31, $0x1  }
.LBB2_1:
0x9: {  	[tilespmem:s2], [sflag:$0x1] =	stream.linear.gather [hbm4b:s3+s2], $0x8000, $0x38;
	[tilespmem:$0x18000] =	vst v63  }
0xa: {  	_ =	swait.ge [sflag:s7], $0x8000  }
0xb: {  	[sflag:s7] =	ssyncset.done $0x0  }
0xc: {  	s11 =	simm.s32 $0x200;
	[sflag:s7] =	ssyncadd.s32 $0xFFFF8000  }
0xd: {  	v5 =	vld [tilespmem:s11+$0xFFFFFEA0]  }
0xe: {  	v6 =	vld [tilespmem:s11+$0x120]  }
0xf: {  	v7 =	vld [tilespmem:s11+$0x130]  }
0x10: {  	v8 =	vld [tilespmem:s11+$0x80]  }
0x11: {  	v9 =	vld [tilespmem:s11+$0xFFFFFEB0]  }
0x12: {  	(xrf1) =	vsort.dscd.msk.f32 $0xffff, v5, v2;
	v5 =	vld [tilespmem:s11+$0x100]  }
0x13: {  	(xrf1) =	vsort.dscd.msk.f32 $0xffff, v6, v2;
	v6 =	vld [tilespmem:s11+$0x30]  }
0x14: {  	(xrf1) =	vsort.ascd.msk.f32 $0xffff, v7, v3;
	v7 =	vld [tilespmem:s11+$0xFFFFFF80]  }
0x15: {  	v10 =	vld [tilespmem:s11+$0xFFFFFF90];
	(xrf1) =	vsort.dscd.msk.f32 $0xffff, v8, v0  }
0x16: {  	v8 =	vld [tilespmem:s11+$0xFFFFFFA0];
	(xrf1) =	vsort.ascd.msk.f32 $0xffff, v9, v3  }
0x17: {  	v9 =	vld [tilespmem:s11+$0xFFFFFF00];
	(xrf1) =	vsort.dscd.msk.f32 $0xffff, v5, v0  }
0x18: {  	v5 =	vld [tilespmem:s11+$0x0];
	(xrf1) =	vsort.ascd.msk.f32 $0xffff, v6, v3  }
0x19: {  	v6 =	vld [tilespmem:s11+$0xFFFFFE90];
	(xrf1) =	vsort.dscd.msk.f32 $0xffff, v7, v0  }
0x1a: {  	v7 =	vld [tilespmem:s11+$0xFFFFFE80];
	(xrf1) =	vsort.ascd.msk.f32 $0xffff, v10, v1  }
0x1b: {  	v10 =	vld [tilespmem:s11+$0xFFFFFFB0];
	(xrf1) =	vsort.dscd.msk.f32 $0xffff, v8, v2  }
0x1c: {  	v8 =	vld [tilespmem:s11+$0x10];
	(xrf1) =	vsort.dscd.msk.f32 $0xffff, v9, v0  }
0x1d: {  	v9 =	vld [tilespmem:s11+$0xFFFFFE30];
	(xrf1) =	vsort.dscd.msk.f32 $0xffff, v5, v0  }
0x1e: {  	v5 =	vld [tilespmem:s11+$0x20];
	(xrf1) =	vsort.ascd.msk.f32 $0xffff, v6, v1  }
0x1f: {  	v6 =	vld [tilespmem:s11+$0xFFFFFE00];
	(xrf1) =	vsort.dscd.msk.f32 $0xffff, v7, v0  }
0x20: {  	v12 =	vld [tilespmem:s11+$0xA0];
	v7, v11, _ =	vpop (xrf1);
	(xrf1) =	vsort.ascd.msk.f32 $0xffff, v10, v3  }
0x21: {  	v10 =	vld [tilespmem:s11+$0x110];
	v13, v14, _ =	vpop (xrf1);
	(xrf1) =	vsort.ascd.msk.f32 $0xffff, v8, v1  }
0x22: {  	v8 =	vld [tilespmem:s11+$0xFFFFFE10];
	v15, v16, _ =	vpop (xrf1);
	(xrf1) =	vsort.ascd.msk.f32 $0xffff, v9, v3  }
0x23: {  	(xrf1) =	vsort.dscd.msk.f32 $0xffff, v5, v2;
	v5, v17, _ =	vpop (xrf1)  }
0x24: {  	(xrf1) =	vsort.dscd.msk.f32 $0xffff, v6, v0;
	v6, v19, _ =	vpop (xrf1)  }
0x25: {  	v9 =	vld [tilespmem:s11+$0x1B0];
	(xrf1) =	vsort.dscd.msk.f32 $0xffff, v12, v2;
	v12, v21, _ =	vpop (xrf1)  }
0x26: {  	v18 =	vld [tilespmem:s11+$0xFFFFFE20];
	v22, v23, _ =	vpop (xrf1);
	(xrf1) =	vsort.ascd.msk.f32 $0xffff, v10, v1  }
0x27: {  	v20 =	vld [tilespmem:s11+$0x1A0];
	(xrf1) =	vsort.ascd.msk.f32 $0xffff, v8, v1;
	v8, v24, _ =	vpop (xrf1)  }
0x28: {  	v26, v27, _ =	vpop (xrf1)  }
0x29: {  	v10 =	vld [tilespmem:s11+$0xB0];
	v24 =	vsel vm0, v24, v27  }
0x2a: {  	(xrf1) =	vsort.ascd.msk.f32 $0xffff, v9, v3;
	v8 =	vsel vm0, v8, v26  }
0x2b: {  	v25 =	vld [tilespmem:s11+$0x90];
	(xrf1) =	vsort.dscd.msk.f32 $0xffff, v18, v2;
	v9, v18, _ =	vpop (xrf1)  }
0x2c: {  	v26, v27, _ =	vpop (xrf1);
	(xrf1) =	vsort.dscd.msk.f32 $0xffff, v20, v2  }
0x2d: {  	v28 =	vld [tilespmem:s11+$0x190];
	v6 =	vsel vm0, v7, v6;
	v7 =	vsel vm0, v11, v19;
	(xrf1) =	vsort.dscd.msk.f32 $0xffff, v8, v24;
	v8, v24, _ =	vpop (xrf1)  }
0x2e: {  	v20 =	vld [tilespmem:s11+$0x180];
	(xrf1) =	vsort.ascd.msk.f32 $0xffff, v10, v3;
	v10, v29, _ =	vpop (xrf1)  }
0x2f: {  	v11, v19, _ =	vpop (xrf1)  }
0x30: {  	(xrf1) =	vsort.ascd.msk.f32 $0xffff, v25, v1;
	v10 =	vsel vm0, v11, v10  }
0x31: {  	(xrf1) =	vsort.ascd.msk.f32 $0xffff, v6, v7;
	v6, v7, _ =	vpop (xrf1)  }
0x32: {  	(xrf1) =	vsort.ascd.msk.f32 $0xffff, v28, v1;
	v25, v28, _ =	vpop (xrf1)  }
0x33: {  	v11 =	vsel vm0, v19, v29;
	(xrf1) =	vsort.dscd.msk.f32 $0xffff, v20, v0;
	v6 =	vsel vm0, v9, v6;
	v19, v20, _ =	vpop (xrf1)  }
0x34: {  	v7 =	vsel vm0, v18, v7;
	(xrf1) =	vsort.dscd.msk.f32 $0xffff, v10, v11;
	v8 =	vsel vm0, v8, v25;
	v9, v10, _ =	vpop (xrf1)  }
0x35: {  	v11 =	vsel vm0, v24, v28;
	v18, v24, _ =	vpop (xrf1);
	(xrf1) =	vsort.ascd.msk.f32 $0xffff, v6, v7;
	v7 =	vsel vm0, v10, v23  }
0x36: {  	v6 =	vsel vm0, v9, v22;
	_ =	sdelay $0x1  }
0x37: {  	(xrf1) =	vsort.dscd.msk.f32 $0xffff, v8, v11;
	v8, v10, _ =	vpop (xrf1)  }
0x38: {  	(xrf1) =	vsort.ascd.msk.f32 $0xffff, v6, v7;
	v6, v7, _ =	vpop (xrf1)  }
0x39: {  	v7 =	vsel vm0, v21, v7  }
0x3a: {  	v9 =	vld [tilespmem:s11+$0xFFFFFF30];
	v11 =	vsel vm0, v13, v15;
	v13 =	vsel vm0, v14, v16;
	v6 =	vsel vm0, v12, v6;
	v12, v16, _ =	vpop (xrf1)  }
0x3b: {  	v14 =	vld [tilespmem:s11+$0xFFFFFF20];
	(xrf1) =	vsort.ascd.msk.f32 $0xffff, v11, v13;
	v11 =	vsel vm0, v18, v12;
	_ =	sdelay $0x1  }
0x3c: {  	v15 =	vld [tilespmem:s11+$0xFFFFFF10];
	v12 =	vsel vm0, v24, v16;
	(xrf1) =	vsort.dscd.msk.f32 $0xffff, v6, v7;
	v6, v7, _ =	vpop (xrf1)  }
0x3d: {  	(xrf1) =	vsort.dscd.msk.f32 $0xffff, v11, v12;
	v13, v16, _ =	vpop (xrf1)  }
0x3e: {  	(xrf1) =	vsort.ascd.msk.f32 $0xffff, v9, v3;
	v9, v11, _ =	vpop (xrf1)  }
0x3f: {  	(xrf1) =	vsort.dscd.msk.f32 $0xffff, v14, v2;
	v12, v14, _ =	vpop (xrf1)  }
0x40: {  	v6 =	vsel vm0, v9, v6;
	v7 =	vsel vm0, v11, v7;
	v9, v11, _ =	vpop (xrf1)  }
0x41: {  	(xrf1) =	vsort.ascd.msk.f32 $0xffff, v15, v1;
	v8 =	vsel vm0, v8, v9;
	v9 =	vsel vm0, v10, v11;
	v10, v11, _ =	vpop (xrf1)  }
0x42: {  	(xrf1) =	vsort.ascd.msk.f32 $0xffff, v6, v7;
	v6 =	vsel vm0, v17, v11  }
0x43: {  	v5 =	vsel vm0, v5, v10;
	_ =	sdelay $0x1  }
0x44: {  	(xrf1) =	vsort.ascd.msk.f32 $0xffff, v8, v9;
	v7, v10, _ =	vpop (xrf1)  }
0x45: {  	(xrf1) =	vsort.dscd.msk.f32 $0xffff, v5, v6;
	v5, v6, _ =	vpop (xrf1)  }
0x46: {  	v8, v9, _ =	vpop (xrf1)  }
0x47: {  	v11 =	vsel vm0, v13, v19;
	v13 =	vsel vm0, v16, v20;
	v15, v16, _ =	vpop (xrf1);
	v6 =	vsel vm0, v9, v6  }
0x48: {  	v5 =	vsel vm0, v8, v5;
	v10 =	vsel vm0, v16, v10  }
0x49: {  	v7 =	vsel vm0, v15, v7  }
0x4a: {  	(xrf1) =	vsort.ascd.msk.f32 $0xffff, v11, v13;
	v8, v9, _ =	vpop (xrf1)  }
0x4b: {  	(xrf1) =	vsort.dscd.msk.f32 $0xffff, v5, v6;
	v5, v6, _ =	vpop (xrf1)  }
0x4c: {  	v8 =	vsel vm0, v12, v8;
	(xrf1) =	vsort.dscd.msk.f32 $0xffff, v7, v10;
	v7, v10, _ =	vpop (xrf1)  }
0x4d: {  	v6 =	vsel vm0, v6, v10  }
0x4e: {  	v5 =	vsel vm0, v5, v7  }
0x4f: {  	v9 =	vsel vm0, v14, v9  }
0x50: {  	(xrf1) =	vsort.dscd.msk.f32 $0xffff, v8, v9;
	v7, v8, _ =	vpop (xrf1)  }
0x51: {  	(xrf1) =	vsort.dscd.msk.f32 $0xffff, v5, v6;
	v5, v6, _ =	vpop (xrf1)  }
0x52: {  	v6 =	vsel vm0, v6, v8  }
0x53: {  	v5 =	vsel vm0, v5, v7  }
0x54: {  	v7, v8, _ =	vpop (xrf1)  }
0x55: {  	v9, v10, _ =	vpop (xrf1)  }
0x56: {  	(xrf1) =	vsort.dscd.msk.f32 $0xffff, v5, v6;
	v5, v6, _ =	vpop (xrf1)  }
0x57: {  	v11, v12, _ =	vpop (xrf1);
	v6 =	vsel vm0, v6, v10  }
0x58: {  	v5 =	vsel vm0, v5, v9;
	v12 =	vsel vm0, v27, v12  }
0x59: {  	v11 =	vsel vm0, v26, v11  }
0x5a: {  	v9, v10, _ =	vpop (xrf1)  }
0x5b: {  	(xrf1) =	vsort.ascd.msk.f32 $0xffff, v5, v6;
	v5, v6, _ =	vpop (xrf1)  }
0x5c: {  	(xrf1) =	vsort.dscd.msk.f32 $0xffff, v11, v12;
	v11, v12, _ =	vpop (xrf1)  }
0x5d: {  	v5 =	vsel vm0, v11, v5  }
0x5e: {  	v6 =	vsel vm0, v12, v6;
	_ =	sdelay $0x1  }
0x5f: {  	(xrf1) =	vsort.dscd.msk.f32 $0xffff, v5, v6;
	v5, v11, _ =	vpop (xrf1)  }
0x60: {  	v6, v12, _ =	vpop (xrf1)  }
0x61: {  	s12 =	simm.s32 $0x10200;
	v13 =	vsel vm0, v7, v5;
	v5, v7, _ =	vpop (xrf1);
	v9 =	vsel vm0, v6, v9  }
0x62: {  	s11 =	simm.s32 $0x8200;
	v8 =	vsel vm0, v8, v11;
	v10 =	vsel vm0, v12, v10;
	[tilespmem:s12+$0xFFFFFE80] =	vst v7;
	v12 =	vmul.f32 $1.442695020e+00, v5;
	v5, v6, _ =	vpop (xrf1)  }
0x63: {  	[tilespmem:s11+$0xFFFFFE80] =	vst v4  }
0x64: {  	(xrf1) =	vsort.dscd.msk.f32 $0xffff, v9, v10;
	v11 =	vmul.f32 $1.442695020e+00, v5;
	[tilespmem:s11+$0xFFFFFE90] =	vst v4;
	v9, v5, _ =	vpop (xrf1);
	(erf) = vpow2.f32 v12  }
0x65: {  	(xrf1) =	vsort.dscd.msk.f32 $0xffff, v13, v8;
	[tilespmem:s11+$0xFFFFFEA0] =	vst v4;
	v9 =	vmul.f32 $1.442695020e+00, v9;
	v8, v17, _ =	vpop (xrf1)  }
0x66: {  	[tilespmem:s11+$0xFFFFFEB0] =	vst v4;
	(erf) = vpow2.f32 v11;
	v8 =	vmul.f32 $1.442695020e+00, v8  }
0x67: {  	[tilespmem:s12+$0xFFFFFF80] =	vst v6;
	(erf) = vpow2.f32 v9  }
0x68: {  	[tilespmem:s11+$0xFFFFFF80] =	vst v4;
	(erf) = vpow2.f32 v8  }
0x69: {  	[tilespmem:s11+$0xFFFFFF90] =	vst v4;
	v9, v10, _ =	vpop (xrf1)  }
0x6a: {  	[tilespmem:s11+$0xFFFFFFA0] =	vst v4;
	v11, v12, _ =	vpop (xrf1)  }
0x6b: {  	[tilespmem:s11+$0xFFFFFFB0] =	vst v4;
	v9 =	vsel vm0, v11, v9;
	v10 =	vsel vm0, v12, v10  }
0x6c: {  	[tilespmem:s12+$0x0] =	vst v5;
	(xrf1) =	vsort.dscd.msk.f32 $0xffff, v9, v10  }
0x6d: {  	[tilespmem:s12+$0x100] =	vst v17;
	v12 =	vpop (erf)  }
0x6e: {  	[tilespmem:s11+$0x0] =	vst v4;
	v10, v11, _ =	vpop (xrf1)  }
0x6f: {  	[tilespmem:s11+$0x10] =	vst v4;
	v13 =	vpop (erf)  }
0x70: {  	[tilespmem:s11+$0x100] =	vst v4;
	v10 =	vmul.f32 $1.442695020e+00, v10;
	v8 =	vpop (erf)  }
0x71: {  	[tilespmem:s11+$0x110] =	vst v4;
	v8 =	vnsel vm0, $0x0, v8;
	v16 =	vpop (erf)  }
0x72: {  	[tilespmem:s11+$0x120] =	vst v4;
	v14, v9, _ =	vpop (xrf1);
	(erf) = vpow2.f32 v10;
	(xrf2) =	vadd.scan.msk.f32 $0xffff, v8;
	v21 =	vnsel vm0, $0x0, v16  }
0x73: {  	[tilespmem:s11+$0x130] =	vst v4;
	v14 =	vmul.f32 $1.442695020e+00, v14;
	(xrf2) =	vadd.scan.msk.f32 $0xffff, v21  }
0x74: {  	[tilespmem:s12+$0x80] =	vst v11;
	v15, v19, _ =	vpop (xrf1);
	v16 =	vnsel vm0, $0x0, v12  }
0x75: {  	[tilespmem:s11+$0x80] =	vst v4;
	v10 =	vmul.f32 $1.442695020e+00, v15;
	(erf) = vpow2.f32 v14;
	(xrf2) =	vadd.scan.msk.f32 $0xffff, v16  }
0x76: {  	[tilespmem:s11+$0x90] =	vst v4  }
0x77: {  	[tilespmem:s11+$0xA0] =	vst v4;
	(erf) = vpow2.f32 v10  }
0x78: {  	[tilespmem:s11+$0xB0] =	vst v4;
	v15 =	vnsel vm0, $0x0, v13  }
0x79: {  	[tilespmem:s12+$0x180] =	vst v9;
	(xrf2) =	vadd.scan.msk.f32 $0xffff, v15  }
0x7a: {  	[tilespmem:s12+$0xFFFFFE00] =	vst v19;
	v10, v12, _ =	vpop (xrf1)  }
0x7b: {  	[tilespmem:s11+$0x180] =	vst v4;
	v23 =	vpop (erf)  }
0x7c: {  	[tilespmem:s11+$0x190] =	vst v4;
	v10 =	vmul.f32 $1.442695020e+00, v10;
	v13, _, _ =	vpop (xrf2)  }
0x7d: {  	[tilespmem:s11+$0x1A0] =	vst v4;
	v13 =	vbroadcast v13, $0xF;
	v24, _, _ =	vpop (xrf2)  }
0x7e: {  	[tilespmem:s11+$0x1B0] =	vst v4;
	v25 =	vpop (erf);
	(erf) = vpow2.f32 v10;
	v27 =	vbroadcast v24, $0xF;
	v24 =	vnsel vm0, $0x0, v23  }
0x7f: {  	[tilespmem:s11+$0xFFFFFE20] =	vst v4;
	v23, _, _ =	vpop (xrf2);
	(erf) = vrcp.f32 v13;
	(xrf2) =	vadd.scan.msk.f32 $0xffff, v24  }
0x80: {  	v18 =	vand.u32 $0xFFFFFF80, v5;
	v20 =	vand.u32 $0xFFFFFF80, v17;
	v17 =	vand.u32 $0x7F, v17;
	[tilespmem:s11+$0xFFFFFE00] =	vst v4;
	v28 =	vpop (erf)  }
0x81: {  	v22 =	vand.u32 $0x7F, v19;
	[tilespmem:s11+$0xFFFFFE30] =	vst v4;
	(erf) = vrcp.f32 v27;
	v27 =	vnsel vm0, $0x0, v28  }
0x82: {  	s13 =	simm.s32 $0x80;
	v26 =	vand.u32 $0xFFFFFF80, v19;
	[tilespmem:s11+$0xFFFFFE10] =	vst v4;
	v14 =	vand.u32 $0xFFFFFF80, v7;
	(xrf2) =	vadd.scan.msk.f32 $0xffff, v27  }
0x83: {  	v14 =	vadd.s32 s13, v14;
	[tilespmem:s12+$0xFFFFFF00] =	vst v12;
	v19 =	vand.u32 $0xFFFFFF80, v12;
	v29 =	vbroadcast v23, $0xF;
	v23, _, _ =	vpop (xrf2)  }
0x84: {  	s26 =	simm.s32 $0x180;
	s31 =	simm.s32 $0x100;
	[tilespmem:s11+$0xFFFFFF00] =	vst v4;
	v10 =	vand.u32 $0xFFFFFF80, v6;
	v28 =	vbroadcast v23, $0xF;
	v23 =	vnsel vm0, $0x0, v25  }
0x85: {  	s14 =	simm.s32 $0x200;
	s28 =	simm.s32 $0x300;
	v19 =	vadd.s32 s31, v19;
	v13 =	vadd.s32 s26, v10;
	(erf) = vrcp.f32 v29;
	(xrf2) =	vadd.scan.msk.f32 $0xffff, v23  }
0x86: {  	s29 =	simm.s32 $0x280;
	[tilespmem:s11+$0xFFFFFF10] =	vst v4;
	v10 =	vadd.s32 s14, v18;
	v18 =	vadd.s32 s28, v20;
	v20 =	vand.u32 $0xFFFFFF80, v11  }
0x87: {  	s30 =	simm.s32 $0x380;
	s17 =	simm.s32 $0x0;
	[tilespmem:s11+$0xFFFFFF20] =	vst v4;
	v18 =	vor.u32 v17, v18;
	v20 =	vadd.s32 s29, v20;
	v17 =	vand.u32 $0xFFFFFF80, v9;
	v25 =	vpop (erf)  }
0x88: {  	s15 =	simm.s32 $0x8200;
	s13 =	simm.s32 $0x8;
	[tilespmem:s11+$0xFFFFFF30] =	vst v4;
	s14 =	simm.s32 $0x600;
	v17 =	vadd.s32 s30, v17;
	(erf) = vrcp.f32 v28;
	v25 =	vnsel vm0, $0x0, v25;
	v28 =	vpop (erf)  }
.LBB2_2:
0x89: {  	v29 =	vld [tilespmem:s14+$0x80];
	p0 =	slt.u32 s13, $0xF8;
	[tilespmem:s11+$0x20] =	vst v4;
	s15 =	sadd.s32 $0x400, s15;
	s12 =	sadd.s32 $0x400, s12;
	v30, _, _ =	vpop (xrf2)  }
0x8a: {  	s16 =	smov.u32 s13;
	s13 =	sadd.s32 $0x8, s13;
	v31 =	vld [tilespmem:s14+$0xFFFFFE90];
	[tilespmem:s11+$0x30] =	vst v4;
	v30 =	vbroadcast v30, $0xF;
	(xrf2) =	vadd.scan.msk.f32 $0xffff, v25;
	s11 =	smov.u32 s15  }
0x8b: {  	v7 =	vand.u32 $0x7F, v7;
	v32 =	vld [tilespmem:s14+$0xFFFFFEA0];
	v33 =	vpop (erf)  }
0x8c: {  	v7 =	vor.u32 v7, v14;
	v34 =	vld [tilespmem:s14+$0x120];
	v35 =	vmul.f32 v33, v21;
	v21, _, _ =	vpop (xrf2);
	(erf) = vrcp.f32 v30  }
0x8d: {  	v30 =	vld [tilespmem:s14+$0x130];
	v21 =	vbroadcast v21, $0xF  }
0x8e: {  	v6 =	vand.u32 $0x7F, v6;
	v33 =	vld [tilespmem:s14+$0xFFFFFEB0];
	[tilespmem:v18+s8+$0x0] =	vst.idx.msk $0xff, v35;
	v14 =	vpop (erf)  }
0x8f: {  	v6 =	vor.u32 v6, v13;
	v18 =	vld [tilespmem:s14+$0xFFFFFF00];
	v14 =	vmul.f32 v14, v16;
	(erf) = vrcp.f32 v21;
	v13, _, _ =	vpop (xrf2)  }
0x90: {  	v16 =	vld [tilespmem:s14+$0x110];
	(xrf1) =	vsort.dscd.msk.f32 $0xffff, v32, v2;
	v13 =	vbroadcast v13, $0xF  }
0x91: {  	v21 =	vld [tilespmem:s14+$0x100];
	(xrf1) =	vsort.dscd.msk.f32 $0xffff, v34, v2;
	[tilespmem:v7+s8+$0x0] =	vst.idx.msk $0xff, v14;
	v7 =	vpop (erf)  }
0x92: {  	v11 =	vand.u32 $0x7F, v11;
	v14 =	vld [tilespmem:s14+$0x30];
	(xrf1) =	vsort.ascd.msk.f32 $0xffff, v30, v3;
	v7 =	vmul.f32 v7, v15;
	(erf) = vrcp.f32 v13  }
0x93: {  	v11 =	vor.u32 v11, v20;
	v13 =	vld [tilespmem:s14+$0xFFFFFF80]  }
0x94: {  	v15 =	vld [tilespmem:s14+$0xFFFFFF90];
	(xrf1) =	vsort.dscd.msk.f32 $0xffff, v29, v0;
	[tilespmem:v6+s8+$0x0] =	vst.idx.msk $0xff, v7;
	v6, _, _ =	vpop (xrf2)  }
0x95: {  	v20 =	vadd.s32 s17, v26;
	v7 =	vld [tilespmem:s14+$0xFFFFFFA0];
	(xrf1) =	vsort.ascd.msk.f32 $0xffff, v33, v3;
	v6 =	vbroadcast v6, $0xF;
	v26 =	vpop (erf)  }
0x96: {  	v5 =	vand.u32 $0x7F, v5;
	v20 =	vor.u32 v22, v20;
	v29 =	vld [tilespmem:s14+$0x10];
	(xrf1) =	vsort.dscd.msk.f32 $0xffff, v21, v0;
	v21 =	vmul.f32 v26, v24  }
0x97: {  	v5 =	vor.u32 v5, v10;
	v22 =	vld [tilespmem:s14+$0x0];
	(xrf1) =	vsort.ascd.msk.f32 $0xffff, v14, v3  }
0x98: {  	v9 =	vand.u32 $0x7F, v9;
	v10 =	vld [tilespmem:s14+$0xFFFFFFB0];
	(xrf1) =	vsort.dscd.msk.f32 $0xffff, v13, v0;
	[tilespmem:v11+s8+$0x0] =	vst.idx.msk $0xff, v21;
	v11 =	vpop (erf);
	(erf) = vrcp.f32 v6  }
0x99: {  	v9 =	vor.u32 v9, v17;
	v6 =	vld [tilespmem:s14+$0xFFFFFE80];
	(xrf1) =	vsort.ascd.msk.f32 $0xffff, v15, v1;
	v14 =	vmul.f32 v11, v27  }
0x9a: {  	v13 =	vld [tilespmem:s14+$0xFFFFFE30];
	(xrf1) =	vsort.dscd.msk.f32 $0xffff, v7, v2  }
0x9b: {  	v17 =	vmul.f32 v28, v8;
	v7 =	vld [tilespmem:s14+$0xFFFFFE20];
	(xrf1) =	vsort.dscd.msk.f32 $0xffff, v18, v0;
	[tilespmem:v20+s8+$0x0] =	vst.idx.msk $0xff, v14;
	v11 =	vpop (erf)  }
0x9c: {  	v14 =	vld [tilespmem:s14+$0xFFFFFE10];
	(xrf1) =	vsort.dscd.msk.f32 $0xffff, v22, v0;
	v18 =	vmul.f32 v11, v23  }
0x9d: {  	v15 =	vld [tilespmem:s14+$0x20];
	(xrf1) =	vsort.ascd.msk.f32 $0xffff, v31, v1;
	[tilespmem:v5+s8+$0x0] =	vst.idx.msk $0xff, v17  }
0x9e: {  	v12 =	vand.u32 $0x7F, v12;
	v5 =	vld [tilespmem:s14+$0xFFFFFE00];
	(xrf1) =	vsort.dscd.msk.f32 $0xffff, v6, v0;
	v6, v8, _ =	vpop (xrf1);
	[tilespmem:v9+s8+$0x0] =	vst.idx.msk $0xff, v18  }
0x9f: {  	v12 =	vor.u32 v12, v19;
	v9 =	vld [tilespmem:s14+$0xA0];
	(xrf1) =	vsort.ascd.msk.f32 $0xffff, v10, v3;
	v10, v11, _ =	vpop (xrf1)  }
0xa0: {  	v17 =	vld [tilespmem:s14+$0x1B0];
	(xrf1) =	vsort.ascd.msk.f32 $0xffff, v29, v1;
	v18, v19, _ =	vpop (xrf1)  }
0xa1: {  	v10 =	vsel vm0, v10, v18;
	v18 =	vld [tilespmem:s14+$0x190];
	(xrf1) =	vsort.ascd.msk.f32 $0xffff, v13, v3;
	v13 =	vpop (erf)  }
0xa2: {  	v11 =	vsel vm0, v11, v19;
	v19 =	vld [tilespmem:s14+$0x1A0];
	(xrf1) =	vsort.dscd.msk.f32 $0xffff, v15, v2;
	v15, v20, _ =	vpop (xrf1);
	v25 =	vmul.f32 v13, v25  }
0xa3: {  	v21 =	vld [tilespmem:s14+$0x90];
	(xrf1) =	vsort.dscd.msk.f32 $0xffff, v5, v0;
	v5, v22, _ =	vpop (xrf1)  }
0xa4: {  	(xrf1) =	vsort.dscd.msk.f32 $0xffff, v9, v2;
	v9, v23, _ =	vpop (xrf1);
	[tilespmem:v12+s8+$0x0] =	vst.idx.msk $0xff, v25  }
0xa5: {  	v12, v13, _ =	vpop (xrf1);
	(xrf1) =	vsort.ascd.msk.f32 $0xffff, v16, v1  }
0xa6: {  	v16 =	vld [tilespmem:s14+$0xB0];
	(xrf1) =	vsort.ascd.msk.f32 $0xffff, v14, v1;
	v14, v24, _ =	vpop (xrf1)  }
0xa7: {  	v25, v26, _ =	vpop (xrf1);
	(xrf1) =	vsort.ascd.msk.f32 $0xffff, v17, v3  }
0xa8: {  	v29 =	vsel vm0, v14, v25;
	v27 =	vsel vm0, v24, v26;
	(xrf1) =	vsort.dscd.msk.f32 $0xffff, v7, v2;
	v7, v24, _ =	vpop (xrf1)  }
0xa9: {  	v25, v26, _ =	vpop (xrf1);
	(xrf1) =	vsort.dscd.msk.f32 $0xffff, v19, v2  }
0xaa: {  	v5 =	vsel vm0, v6, v5;
	v28 =	vsel vm0, v8, v22;
	v8 =	vld [tilespmem:s14+$0x180];
	(xrf1) =	vsort.dscd.msk.f32 $0xffff, v29, v27;
	v14, v17, _ =	vpop (xrf1)  }
0xab: {  	v19, v22, _ =	vpop (xrf1);
	(xrf1) =	vsort.ascd.msk.f32 $0xffff, v16, v3  }
0xac: {  	v16, v27, _ =	vpop (xrf1);
	(xrf1) =	vsort.ascd.msk.f32 $0xffff, v21, v1  }
0xad: {  	v16 =	vsel vm0, v16, v19;
	v22 =	vsel vm0, v27, v22;
	(xrf1) =	vsort.ascd.msk.f32 $0xffff, v5, v28;
	v5, v6, _ =	vpop (xrf1)  }
0xae: {  	v5 =	vsel vm0, v7, v5;
	v6 =	vsel vm0, v24, v6;
	v7, v21, _ =	vpop (xrf1);
	(xrf1) =	vsort.ascd.msk.f32 $0xffff, v18, v1  }
0xaf: {  	v24 =	vsel vm0, v14, v7;
	v14 =	vsel vm0, v17, v21;
	v17, v18, _ =	vpop (xrf1);
	(xrf1) =	vsort.dscd.msk.f32 $0xffff, v8, v0  }
0xb0: {  	(xrf1) =	vsort.dscd.msk.f32 $0xffff, v16, v22;
	v16, v19, _ =	vpop (xrf1)  }
0xb1: {  	v8 =	vld [tilespmem:s14+$0xFFFFFF20];
	v12 =	vsel vm0, v16, v12  }
0xb2: {  	v21 =	vld [tilespmem:s14+$0xFFFFFF10];
	v22 =	vsel vm0, v19, v13;
	v16, v19, _ =	vpop (xrf1);
	(xrf1) =	vsort.ascd.msk.f32 $0xffff, v5, v6  }
0xb3: {  	v5 =	vld [tilespmem:s14+$0xFFFFFF30];
	(xrf1) =	vsort.dscd.msk.f32 $0xffff, v24, v14;
	v6, v7, _ =	vpop (xrf1)  }
0xb4: {  	(xrf1) =	vsort.ascd.msk.f32 $0xffff, v12, v22;
	v12, v13, _ =	vpop (xrf1)  }
0xb5: {  	v24 =	vsel vm0, v9, v12;
	v22 =	vsel vm0, v23, v13;
	v13, v14, _ =	vpop (xrf1);
	(xrf1) =	vsort.ascd.msk.f32 $0xffff, v10, v11  }
0xb6: {  	v10 =	vsel vm0, v16, v13;
	v11 =	vsel vm0, v19, v14;
	(xrf1) =	vsort.dscd.msk.f32 $0xffff, v24, v22;
	v9, v12, _ =	vpop (xrf1)  }
0xb7: {  	v16, v14, _ =	vpop (xrf1);
	(xrf1) =	vsort.dscd.msk.f32 $0xffff, v10, v11  }
0xb8: {  	v10 =	vsel vm0, v16, v17;
	v11 =	vsel vm0, v14, v18;
	(xrf1) =	vsort.ascd.msk.f32 $0xffff, v5, v3;
	v5, v13, _ =	vpop (xrf1)  }
0xb9: {  	v5 =	vsel vm0, v5, v9;
	v9 =	vsel vm0, v13, v12;
	(xrf1) =	vsort.dscd.msk.f32 $0xffff, v8, v2;
	v8, v12, _ =	vpop (xrf1)  }
0xba: {  	(xrf1) =	vsort.ascd.msk.f32 $0xffff, v21, v1;
	v13, v14, _ =	vpop (xrf1)  }
0xbb: {  	v17 =	vsel vm0, v6, v13;
	v7 =	vsel vm0, v7, v14;
	v13, v14, _ =	vpop (xrf1);
	(xrf1) =	vsort.ascd.msk.f32 $0xffff, v5, v9  }
0xbc: {  	v15 =	vsel vm0, v15, v13;
	v16 =	vsel vm0, v20, v14;
	v13, v14, _ =	vpop (xrf1);
	(xrf1) =	vsort.ascd.msk.f32 $0xffff, v17, v7  }
0xbd: {  	(xrf1) =	vsort.dscd.msk.f32 $0xffff, v15, v16;
	v5, v6, _ =	vpop (xrf1)  }
0xbe: {  	(xrf1) =	vsort.ascd.msk.f32 $0xffff, v10, v11;
	v7, v9, _ =	vpop (xrf1)  }
0xbf: {  	v5 =	vsel vm0, v7, v5;
	v15 =	vsel vm0, v9, v6;
	v7, v9, _ =	vpop (xrf1)  }
0xc0: {  	v13 =	vsel vm0, v7, v13;
	v9 =	vsel vm0, v9, v14;
	v10, v11, _ =	vpop (xrf1);
	(xrf1) =	vsort.dscd.msk.f32 $0xffff, v5, v15  }
0xc1: {  	v14 =	vsel vm0, v8, v10;
	v10 =	vsel vm0, v12, v11;
	(xrf1) =	vsort.dscd.msk.f32 $0xffff, v13, v9;
	v7, v8, _ =	vpop (xrf1)  }
0xc2: {  	v5, v6, _ =	vpop (xrf1)  }
0xc3: {  	(xrf1) =	vsort.dscd.msk.f32 $0xffff, v14, v10;
	v10 =	vsel vm0, v7, v5  }
0xc4: {  	v9 =	vsel vm0, v8, v6;
	v7, v8, _ =	vpop (xrf1)  }
0xc5: {  	(xrf1) =	vsort.dscd.msk.f32 $0xffff, v10, v9;
	v5, v6, _ =	vpop (xrf1)  }
0xc6: {  	v12 =	vsel vm0, v5, v7;
	v11 =	vsel vm0, v6, v8;
	v7, v8, _ =	vpop (xrf1)  }
0xc7: {  	v9, v10, _ =	vpop (xrf1);
	(xrf1) =	vsort.dscd.msk.f32 $0xffff, v12, v11  }
0xc8: {  	v5, v6, _ =	vpop (xrf1)  }
0xc9: {  	v15 =	vsel vm0, v5, v9;
	v13 =	vsel vm0, v6, v10;
	v9, v10, _ =	vpop (xrf1)  }
0xca: {  	v16 =	vsel vm0, v25, v9;
	v14 =	vsel vm0, v26, v10;
	v11, v12, _ =	vpop (xrf1)  }
0xcb: {  	(xrf1) =	vsort.ascd.msk.f32 $0xffff, v15, v13;
	v5, v6, _ =	vpop (xrf1)  }
0xcc: {  	(xrf1) =	vsort.dscd.msk.f32 $0xffff, v16, v14;
	v9, v10, _ =	vpop (xrf1)  }
0xcd: {  	v14 =	vsel vm0, v9, v5;
	v13 =	vsel vm0, v10, v6;
	v9, v10, _ =	vpop (xrf1)  }
0xce: {  	v9 =	vsel vm0, v7, v9;
	v8 =	vsel vm0, v8, v10;
	(xrf1) =	vsort.dscd.msk.f32 $0xffff, v14, v13  }
0xcf: {  	v5, v6, _ =	vpop (xrf1)  }
0xd0: {  	v5 =	vsel vm0, v5, v11  }
0xd1: {  	s17 =	sshll.u32 s16, $0x7;
	v10 =	vsel vm0, v6, v12;
	v14, v7, _ =	vpop (xrf1)  }
0xd2: {  	s16 =	sadd.s32 $0x80, s17;
	[tilespmem:s12+$0xFFFFFE80] =	vst v7;
	v15 =	vmul.f32 $1.442695020e+00, v14;
	v12 =	vand.u32 $0xFFFFFF80, v7;
	v13, v6, _ =	vpop (xrf1)  }
0xd3: {  	v14 =	vadd.s32 s16, v12;
	v12 =	vmul.f32 $1.442695020e+00, v13;
	v13 =	vand.u32 $0xFFFFFF80, v6;
	s16 =	sadd.s32 $0x180, s17;
	(xrf1) =	vsort.dscd.msk.f32 $0xffff, v5, v10  }
0xd4: {  	[tilespmem:s15+$0xFFFFFE80] =	vst v4;
	v13 =	vadd.s32 s16, v13;
	v10, v5, _ =	vpop (xrf1)  }
0xd5: {  	[tilespmem:s15+$0xFFFFFE90] =	vst v4;
	v10 =	vmul.f32 $1.442695020e+00, v10;
	(xrf1) =	vsort.dscd.msk.f32 $0xffff, v9, v8;
	(erf) = vpow2.f32 v15  }
0xd6: {  	v8 =	vand.u32 $0xFFFFFF80, v5;
	[tilespmem:s15+$0xFFFFFEA0] =	vst v4;
	(erf) = vpow2.f32 v12;
	v9, v11, _ =	vpop (xrf1)  }
0xd7: {  	s18 =	sadd.s32 $0x300, s17;
	s16 =	sadd.s32 $0x200, s17;
	[tilespmem:s12+$0x100] =	vst v11;
	v16 =	vmul.f32 $1.442695020e+00, v9;
	v12 =	vand.u32 $0xFFFFFF80, v11;
	(erf) = vpow2.f32 v10  }
0xd8: {  	v10 =	vadd.s32 s16, v8;
	v15 =	vand.u32 $0x7F, v11;
	[tilespmem:s15+$0x100] =	vst v4;
	v11 =	vadd.s32 s18, v12  }
0xd9: {  	[tilespmem:s15+$0x110] =	vst v4;
	v18 =	vor.u32 v15, v11;
	(erf) = vpow2.f32 v16  }
0xda: {  	[tilespmem:s15+$0x120] =	vst v4;
	v8, v9, _ =	vpop (xrf1)  }
0xdb: {  	[tilespmem:s15+$0x130] =	vst v4;
	v11, v12, _ =	vpop (xrf1)  }
0xdc: {  	[tilespmem:s15+$0xFFFFFEB0] =	vst v4;
	v15 =	vsel vm0, v11, v8;
	v9 =	vsel vm0, v12, v9  }
0xdd: {  	[tilespmem:s12+$0xFFFFFF80] =	vst v6;
	(xrf1) =	vsort.dscd.msk.f32 $0xffff, v15, v9;
	v8, v11, _ =	vpop (xrf1)  }
0xde: {  	s16 =	sadd.s32 $0x280, s17;
	[tilespmem:s12+$0x80] =	vst v11;
	v8 =	vmul.f32 $1.442695020e+00, v8;
	v15 =	vand.u32 $0xFFFFFF80, v11;
	v12 =	vpop (erf)  }
0xdf: {  	v16 =	vnsel vm0, $0x0, v12;
	[tilespmem:s15+$0x80] =	vst v4;
	v20 =	vadd.s32 s16, v15;
	v9 =	vpop (erf)  }
0xe0: {  	v15 =	vnsel vm0, $0x0, v9;
	[tilespmem:s15+$0x90] =	vst v4;
	v17 =	vpop (erf);
	(erf) = vpow2.f32 v8  }
0xe1: {  	v8 =	vnsel vm0, $0x0, v17;
	[tilespmem:s15+$0xA0] =	vst v4;
	v12, v9, _ =	vpop (xrf1)  }
0xe2: {  	s16 =	sadd.s32 $0x380, s17;
	[tilespmem:s15+$0xB0] =	vst v4;
	v12 =	vmul.f32 $1.442695020e+00, v12;
	v17 =	vand.u32 $0xFFFFFF80, v9;
	(xrf2) =	vadd.scan.msk.f32 $0xffff, v8;
	v19 =	vpop (erf)  }
0xe3: {  	v21 =	vnsel vm0, $0x0, v19;
	[tilespmem:s12+$0x180] =	vst v9;
	v17 =	vadd.s32 s16, v17;
	v19, v23, _ =	vpop (xrf1)  }
0xe4: {  	[tilespmem:s12+$0xFFFFFE00] =	vst v23;
	v19 =	vmul.f32 $1.442695020e+00, v19;
	v22 =	vand.u32 $0x7F, v23;
	(erf) = vpow2.f32 v12  }
0xe5: {  	v26 =	vand.u32 $0xFFFFFF80, v23;
	[tilespmem:s15+$0xFFFFFE20] =	vst v4;
	(xrf2) =	vadd.scan.msk.f32 $0xffff, v21  }
0xe6: {  	[tilespmem:s15+$0xFFFFFE00] =	vst v4  }
0xe7: {  	[tilespmem:s15+$0xFFFFFE30] =	vst v4;
	(erf) = vpow2.f32 v19  }
0xe8: {  	[tilespmem:s15+$0xFFFFFE10] =	vst v4;
	(xrf2) =	vadd.scan.msk.f32 $0xffff, v16  }
0xe9: {  	[tilespmem:s15+$0x180] =	vst v4;
	v12 =	vpop (erf)  }
0xea: {  	v24 =	vnsel vm0, $0x0, v12;
	[tilespmem:s15+$0x190] =	vst v4  }
0xeb: {  	[tilespmem:s15+$0x1A0] =	vst v4;
	v19, v12, _ =	vpop (xrf1);
	(xrf2) =	vadd.scan.msk.f32 $0xffff, v15  }
0xec: {  	s16 =	sadd.s32 $0x100, s17;
	[tilespmem:s12+$0xFFFFFF00] =	vst v12;
	v28 =	vmul.f32 $1.442695020e+00, v19;
	v19 =	vand.u32 $0xFFFFFF80, v12;
	v23, _, _ =	vpop (xrf2)  }
0xed: {  	[tilespmem:s15+$0xFFFFFF00] =	vst v4;
	v19 =	vadd.s32 s16, v19;
	v29 =	vbroadcast v23, $0xF;
	v23 =	vpop (erf)  }
0xee: {  	[tilespmem:s15+$0xFFFFFF10] =	vst v4;
	v23 =	vnsel vm0, $0x0, v23;
	(erf) = vpow2.f32 v28  }
0xef: {  	[tilespmem:s15+$0xFFFFFF20] =	vst v4;
	(erf) = vrcp.f32 v29;
	(xrf2) =	vadd.scan.msk.f32 $0xffff, v24;
	v25, _, _ =	vpop (xrf2)  }
0xf0: {  	[tilespmem:s15+$0xFFFFFF30] =	vst v4;
	v25 =	vbroadcast v25, $0xF;
	v27 =	vpop (erf)  }
0xf1: {  	v27 =	vnsel vm0, $0x0, v27;
	[tilespmem:s15+$0x1B0] =	vst v4  }
0xf2: {  	[tilespmem:s15+$0xFFFFFF80] =	vst v4;
	(xrf2) =	vadd.scan.msk.f32 $0xffff, v27;
	v28, _, _ =	vpop (xrf2);
	(erf) = vrcp.f32 v25  }
0xf3: {  	v28 =	vbroadcast v28, $0xF;
	[tilespmem:s15+$0xFFFFFF90] =	vst v4  }
.Ltmp0:
0xf4: {  	[tilespmem:s15+$0xFFFFFFA0] =	vst v4;
	(pc) =	sbr.rel @p0 .LBB2_2-.Ltmp0, $4  }
0xf5: {  	[tilespmem:s15+$0xFFFFFFB0] =	vst v4;
	(erf) = vrcp.f32 v28;
	v25, _, _ =	vpop (xrf2);
	(xrf2) =	vadd.scan.msk.f32 $0xffff, v23  }
0xf6: {  	v29 =	vbroadcast v25, $0xF;
	[tilespmem:s12+$0x0] =	vst v5  }
0xf7: {  	[tilespmem:s15+$0x0] =	vst v4;
	v25 =	vpop (erf)  }
0xf8: {  	s14 =	sadd.s32 $0x400, s14;
	v25 =	vnsel vm0, $0x0, v25;
	[tilespmem:s15+$0x10] =	vst v4;
	(erf) = vrcp.f32 v29;
	v28 =	vpop (erf)  }
0xf9: {  	(xrf2) =	vadd.scan.msk.f32 $0xffff, v25;
	_ =	sdelay $0x5  }
0xfa: {  	v29, _, _ =	vpop (xrf2)  }
0xfb: {  	v29 =	vbroadcast v29, $0xF;
	v30, _, _ =	vpop (xrf2)  }
0xfc: {  	v30 =	vbroadcast v30, $0xF  }
0xfd: {  	(erf) = vrcp.f32 v29;
	v51, _, _ =	vpop (xrf2)  }
0xfe: {  	(erf) = vrcp.f32 v30;
	v29 =	vbroadcast v51, $0xF;
	v52, _, _ =	vpop (xrf2)  }
0xff: {  	v30 =	vbroadcast v52, $0xF  }
0x100: {  	(erf) = vrcp.f32 v29  }
0x101: {  	v7 =	vand.u32 $0x7F, v7;
	(erf) = vrcp.f32 v30  }
0x102: {  	v6 =	vand.u32 $0x7F, v6;
	v7 =	vor.u32 v7, v14  }
0x103: {  	v11 =	vand.u32 $0x7F, v11;
	v6 =	vor.u32 v6, v13;
	v53 =	vpop (erf)  }
0x104: {  	[tilespmem:s11+$0x20] =	vst v4;
	v55 =	vadd.s32 s17, v26;
	v11 =	vor.u32 v11, v20;
	v14 =	vmul.f32 v53, v21;
	v54 =	vpop (erf)  }
0x105: {  	[tilespmem:s11+$0x30] =	vst v4;
	v5 =	vand.u32 $0x7F, v5;
	v57 =	vor.u32 v22, v55;
	v13 =	vmul.f32 v54, v16;
	v56 =	vpop (erf)  }
0x106: {  	v9 =	vand.u32 $0x7F, v9;
	v5 =	vor.u32 v5, v10;
	[tilespmem:v18+s8+$0x0] =	vst.idx.msk $0xff, v14;
	v59 =	vmul.f32 v56, v15;
	v58 =	vpop (erf)  }
0x107: {  	v12 =	vand.u32 $0x7F, v12;
	v9 =	vor.u32 v9, v17;
	[tilespmem:v7+s8+$0x0] =	vst.idx.msk $0xff, v13;
	v7 =	vmul.f32 v58, v24;
	v60 =	vpop (erf)  }
0x108: {  	v61 =	vor.u32 v12, v19;
	[tilespmem:v6+s8+$0x0] =	vst.idx.msk $0xff, v59;
	v6 =	vmul.f32 v60, v27  }
0x109: {  	[tilespmem:v11+s8+$0x0] =	vst.idx.msk $0xff, v7;
	v7 =	vmul.f32 v28, v8;
	v62 =	vpop (erf)  }
0x10a: {  	[tilespmem:v57+s8+$0x0] =	vst.idx.msk $0xff, v6;
	v6 =	vmul.f32 v62, v23;
	v63 =	vpop (erf)  }
0x10b: {  	[tilespmem:v5+s8+$0x0] =	vst.idx.msk $0xff, v7;
	v5 =	vmul.f32 v63, v25  }
0x10c: {  	[tilespmem:v9+s8+$0x0] =	vst.idx.msk $0xff, v6  }
0x10d: {  	[tilespmem:v61+s8+$0x0] =	vst.idx.msk $0xff, v5  }
0x10e: {  	[hbm4b:s4+s2] =	stream.linear.scatter [tilespmem:s8], [sflag:$0x1], $0x8000, $0x38;
	[tilespmem:$0x18000] =	vst v63  }
0x10f: {  	s10 =	sadd.s32 $0x1, s10;
	_ =	swait.ge [sflag:s7], $0x8000  }
0x110: {  	p0 =	sne.s32 s10, s6;
	[sflag:s7] =	ssyncset.done $0x0  }
.Ltmp1:
0x111: {  	[sflag:s7] =	ssyncadd.s32 $0xFFFF8000;
	(pc) =	sbr.rel @p0 .LBB2_1-.Ltmp1, $4  }
0x112: {  	[hbm4b:s5+s2] =	stream.linear.scatter [tilespmem:s9], [sflag:$0x1], $0x8000, $0x38;
	[tilespmem:$0x18000] =	vst v63  }
0x113: {  	_ =	swait.ge [sflag:s7], $0x8000  }
0x114: {  	[sflag:s7] =	ssyncset.done $0x0  }
0x115: {  	[sflag:s7] =	ssyncadd.s32 $0xFFFF8000  }
0x116: {  	_ =	sfence.sel $0x180000  }
0x117: {  	[bflag:$0x0] =	sbarrier.arrive $0xFFFF  }
0x118: {  	p0 =	sne.s32 s1, $0x0;
	_ =	strace $0x90000047  }
0x119: {  	s0 =	sadd.s32 @!p0 $0x100000, s0;
	[bflag:$0x2] =	sbarrier.arrive $0xFFFF  }
0x11a: {  	[sflag:s0] =	ssyncadd.tile.s32 @!p0 $0x1;
	_ =	shalt  }
.Lfunc_end2:
_tile_overlayer_lowered:
.L_overlay_start_2:
0x11b: {  	(tag) =	ssettag $0x2  }
0x11c: {  	s0 =	rddreg [dreg:$0x0];
	s2 =	stileid.u32  }
0x11d: {  	s1 =	rddreg [dreg:$0x1];
	p0 =	sne.s32 s2, $0x0  }
0x11e: {  	s3 =	rddreg [dreg:$0x2];
	[bflag:$0x3] =	sbarrier.arrive $0xFFFF;
	s2 =	simm.s32 @!p0 $0x1C01  }
0x11f: {  	[timem:s3], [sflag:s2] =	dma.local @!p0 [hbm:s0], s1  }
0x120: {  	s0 =	simm.s32 @!p0 $0x1  }
0x121: {  	_ =	swait.ge @!p0 [sflag:s0], s1  }
0x122: {  	s1 =	ssub.s32 @!p0 $0x0, s1;
	[sflag:s0] =	ssyncset.done @!p0 $0x0  }
0x123: {  	[sflag:s0] =	ssyncadd.s32 @!p0 s1  }
0x124: {  	[bflag:$0x3] =	sbarrier.arrive $0xFFFF  }
0x125: {  	_ =	shalt  }

// kernel: kernel.9.cloned.1.call-start
scs
__scs_entry_jumppad:
0x0: {  	(pc) =	sbr.rel $0x88, $3  }
0x1: {  	(tag) =	ssettag $0x0;
	lr =	simm.s32 $0x1  }
0x2: {  	[smem:$0x3F9E] =	sst lr;
	_ =	strace $0xD0000000  }
0x3: {  	_ = 	snop  }
0x4: {  	_ = 	snop  }
0x5: {  	_ = 	snop  }
0x6: {  	_ = 	snop  }
0x7: {  	_ = 	snop  }
__scs_overlays_trampoline_lowered:
0x8: {  	[smem:$0x3FAD] =	sst s0  }
0x9: {  	[smem:$0x3FAE] =	sst s1  }
0xa: {  	[smem:$0x3FAF] =	sst s2  }
0xb: {  	[smem:$0x3FB0] =	sst s3  }
0xc: {  	[smem:$0x3FB1] =	sst s4  }
0xd: {  	[smem:$0x3FB2] =	sst s5  }
0xe: {  	[smem:$0x3FB3] =	sst s6  }
0xf: {  	[smem:$0x3FB4] =	sst s7  }
0x10: {  	[smem:$0x3FB5] =	sst s8  }
0x11: {  	[smem:$0x3FB6] =	sst s9;
	s0 =	simm.s32 @!p0 $0x0  }
0x12: {  	s1 =	sld [smem:$0x3F9C];
	s0 =	simm.s32 @p0 $0x1  }
0x13: {  	[smem:$0x3FB7] =	sst s0;
	s0 =	simm.s32 @!p1 $0x0  }
0x14: {  	s2 =	sld [smem:$0x3F9B];
	s0 =	simm.s32 @p1 $0x1  }
0x15: {  	[smem:$0x3FB8] =	sst s0;
	s0 =	simm.s32 @!p2 $0x0  }
0x16: {  	s3 =	sld [smem:$0x3FDB];
	s0 =	simm.s32 @p2 $0x1  }
0x17: {  	s4 =	simm.s32 $0x1BF5;
	[smem:$0x3FBA] =	sst s0  }
0x18: {  	s0 =	sld [smem:$0x3F9D];
	_ =	swait.ge [sflag:s4], $0x0  }
0x19: {  	s7 =	sld [smem:$0x3F9E]  }
0x1a: {  	s8 =	sadd.s32 $0xFFFFE003, lr  }
0x1b: {  	s9 =	sadd.s32 $0xFFFFFEF7, lr;
	s5 =	simm.s32 $0xFFFFFFFF;
	p2 =	slt.u32 s8, $0xFFFFF086  }
0x1c: {  	p1 =	slt.u32 s9, $0xF7A;
	s5 =	simm.s32 @!p2 $0x0  }
0x1d: {  	s5 =	simm.s32 @p1 $0x1;
	p0 =	seq.s32 s7, s2  }
0x1e: {  	s7 =	smul.u32 @!p0 $0xF7A, s2;
	p2 =	seq.s32 @!p0 s5, $0x0  }
0x1f: {  	s9 =	smul.u32 $0xF7A, s1;
	s8 =	simm.s32 @!p0 $0x1BF5;
	p2 =	por !p2, p0  }
0x20: {  	[sflag:s8] =	ssyncset.s32 @!p0 $0xFFFFF086;
	s6 =	sadd.s32 @!p0 s3, s7;
	s7 =	simm.s32 @!p0 $0x108  }
0x21: {  	s3 =	sadd.s32 s3, s9;
	s6 =	sadd.s32 @!p0 $0x88, s6;
	s7 =	simm.s32 @p2 $0x1082  }
0x22: {  	[simem:s7], [sflag:s8] =	dma.local @!p0 [hbm:s6], $0xF7A  }
0x23: {  	s9 =	sor.u32 $0xD0000000, s2;
	s6 =	simm.s32 $0x108;
	_ =	swait.ge @!p0 [sflag:s8], $0x0  }
0x24: {  	s3 =	sadd.s32 $0x88, s3;
	s6 =	simm.s32 @!p1 $0x1082;
	[sflag:s4] =	ssyncset.s32 $0xFFFFF086  }
0x25: {  	[simem:s6], [sflag:s4] =	dma.local [hbm:s3], $0xF7A  }
0x26: {  	[smem:$0x3F9E] =	sst s1;
	(tag) =	ssettag s2;
	_ =	strace s9  }
0x27: {  	s1 =	sld [smem:$0x3FAE]  }
0x28: {  	s2 =	sld [smem:$0x3FAF]  }
0x29: {  	s4 =	sld [smem:$0x3FB1]  }
0x2a: {  	p0 =	seq.s32 s5, $0x0;
	s5 =	sld [smem:$0x3FB2]  }
0x2b: {  	s6 =	sld [smem:$0x3FB3]  }
0x2c: {  	s7 =	sld [smem:$0x3FB4]  }
0x2d: {  	s3 =	simm.s32 $0x108;
	s8 =	sld [smem:$0x3FB5]  }
0x2e: {  	s3 =	simm.s32 @!p0 $0x1082;
	s9 =	sld [smem:$0x3FB6]  }
0x2f: {  	lr =	sadd.s32 s0, s3;
	s0 =	sld [smem:$0x3FAD]  }
0x30: {  	s3 =	sld [smem:$0x3FB0]  }
0x31: {  	[smem:$0x3FB9] =	sst s10  }
0x32: {  	s10 =	sld [smem:$0x3FB7];
	_ =	sdelay $0x3  }
0x33: {  	p0 =	seq.s32 s10, $0x1;
	s10 =	sld [smem:$0x3FB9];
	_ =	sdelay $0x3  }
0x34: {  	[smem:$0x3FB9] =	sst s10  }
0x35: {  	s10 =	sld [smem:$0x3FB8];
	_ =	sdelay $0x3  }
0x36: {  	p1 =	seq.s32 s10, $0x1;
	s10 =	sld [smem:$0x3FB9];
	_ =	sdelay $0x3  }
0x37: {  	[smem:$0x3FB9] =	sst s10  }
0x38: {  	s10 =	sld [smem:$0x3FBA]  }
0x39: {  	_ = 	snop;
	(pc) =	sbr.ind lr, $3  }
0x3a: {  	_ = 	snop  }
0x3b: {  	_ = 	snop  }
0x3c: {  	p2 =	seq.s32 s10, $0x1;
	s10 =	sld [smem:$0x3FB9]  }
0x3d: {  	_ =	shalt  }
0x3e: {  	_ =	shalt  }
0x3f: {  	_ =	shalt  }
0x40: {  	_ =	shalt  }
0x41: {  	_ =	shalt  }
0x42: {  	_ =	shalt  }
0x43: {  	_ =	shalt  }
0x44: {  	_ =	shalt  }
0x45: {  	_ =	shalt  }
0x46: {  	_ =	shalt  }
0x47: {  	_ =	shalt  }
0x48: {  	_ =	shalt  }
0x49: {  	_ =	shalt  }
0x4a: {  	_ =	shalt  }
0x4b: {  	_ =	shalt  }
0x4c: {  	_ =	shalt  }
0x4d: {  	_ =	shalt  }
0x4e: {  	_ =	shalt  }
0x4f: {  	_ =	shalt  }
0x50: {  	_ =	shalt  }
0x51: {  	_ =	shalt  }
0x52: {  	_ =	shalt  }
0x53: {  	_ =	shalt  }
0x54: {  	_ =	shalt  }
0x55: {  	_ =	shalt  }
0x56: {  	_ =	shalt  }
0x57: {  	_ =	shalt  }
0x58: {  	_ =	shalt  }
0x59: {  	_ =	shalt  }
0x5a: {  	_ =	shalt  }
0x5b: {  	_ =	shalt  }
0x5c: {  	_ =	shalt  }
0x5d: {  	_ =	shalt  }
0x5e: {  	_ =	shalt  }
0x5f: {  	_ =	shalt  }
0x60: {  	_ =	shalt  }
0x61: {  	_ =	shalt  }
0x62: {  	_ =	shalt  }
0x63: {  	_ =	shalt  }
0x64: {  	_ =	shalt  }
0x65: {  	_ =	shalt  }
0x66: {  	_ =	shalt  }
0x67: {  	_ =	shalt  }
0x68: {  	_ =	shalt  }
0x69: {  	_ =	shalt  }
0x6a: {  	_ =	shalt  }
0x6b: {  	_ =	shalt  }
0x6c: {  	_ =	shalt  }
0x6d: {  	_ =	shalt  }
0x6e: {  	_ =	shalt  }
0x6f: {  	_ =	shalt  }
0x70: {  	_ =	shalt  }
0x71: {  	_ =	shalt  }
0x72: {  	_ =	shalt  }
0x73: {  	_ =	shalt  }
0x74: {  	_ =	shalt  }
0x75: {  	_ =	shalt  }
0x76: {  	_ =	shalt  }
0x77: {  	_ =	shalt  }
0x78: {  	_ =	shalt  }
0x79: {  	_ =	shalt  }
0x7a: {  	_ =	shalt  }
0x7b: {  	_ =	shalt  }
0x7c: {  	_ =	shalt  }
0x7d: {  	_ =	shalt  }
0x7e: {  	_ =	shalt  }
0x7f: {  	_ =	shalt  }
0x80: {  	_ =	shalt  }
0x81: {  	_ =	shalt  }
0x82: {  	_ =	shalt  }
0x83: {  	_ =	shalt  }
0x84: {  	_ =	shalt  }
0x85: {  	_ =	shalt  }
0x86: {  	_ =	shalt  }
0x87: {  	_ =	shalt  }
.Lfunc_end0:
.L_simem_size_0:
called_computation.1_lowered:
.L_overlay_start_0:
0x88: {  	s2 =	sld [smem:$0x3FD9]  }
0x89: {  	s3 =	sld [smem:$0x3FFE];
	_ =	sdelay $0x1  }
0x8a: {  	s1 =	srdreg.scid  }
0x8b: {  	s0 =	sand.u32 $0x1, s1  }
0x8c: {  	s15 =	sshll.u32 s0, $0xA;
	s2 =	sadd.s32 s3, s2  }
0x8d: {  	s2 =	sadd.s32 s2, s15  }
0x8e: {  	[smem:$0x3FC5] =	sst s2  }
0x8f: {  	_ = 	snop  }
0x90: {  	s2 =	sld [smem:$0x3FD0];
	_ =	sdelay $0x2  }
0x91: {  	s16 =	simm.s32 $0xB;
	s4 =	simm.s32 $0x10  }
0x92: {  	[smem:s4], [sflag:s16] =	dma.local [hbm:s2], $0x1  }
0x93: {  	_ =	swait.eq [sflag:s16], $0x1  }
0x94: {  	[sflag:s16] =	ssyncset.done $0x0  }
0x95: {  	[sflag:s16] =	ssyncadd.s32 $0xFFFFFFFF  }
0x96: {  	s17 =	sld [smem:$0x10];
	(tm) =	ssettm $0x1  }
0x97: {  	s18 =	sld [smem:$0x3FFB];
	_ =	sdelay $0x3  }
0x98: {  	_ =	strace s18  }
0x99: {  	s2 =	sld [smem:$0x3FFC];
	_ =	sdelay $0x3  }
0x9a: {  	_ =	strace s2  }
0x9b: {  	s2 =	sld [smem:$0x3FFD];
	_ =	sdelay $0x3  }
0x9c: {  	_ =	strace s2  }
0x9d: {  	_ =	strace $0x8FFFFFFF  }
0x9e: {  	s19 =	sld [smem:$0x3FDB];
	_ =	sdelay $0x1  }
0x9f: {  	s20 =	simm.s32 $_scs_section_size  }
0xa0: {  	s5 =	simm.s32 $_size__tile_overlayer_lowered;
	s6 =	simm.s32 $_tile_overlayer_lowered  }
0xa1: {  	s7 =	simm.s32 $0x1BFF;
	s21 =	sshll.u32 s6, $0x1;
	s4 =	sadd.s32 s20, s19  }
0xa2: {  	s22 =	simm.s32 $0x0;
	s5 =	sshll.u32 s5, $0x1;
	s6 =	sadd.s32 s21, s4  }
0xa3: {  	[timem:s22], [sflag:s7] =	dma.local [hbm:s6], s5  }
0xa4: {  	_ =	swait.ge [sflag:s7], s5  }
0xa5: {  	s5 =	ssub.s32 $0x0, s5;
	[sflag:s7] =	ssyncset.done $0x0  }
0xa6: {  	[sflag:s7] =	ssyncadd.s32 s5;
	_ =	sdelay $0x1  }
0xa7: {  	s23 =	simm.s32 $0x1B8B  }
0xa8: {  	_ =	swait.ge [sflag:s23], $0x1  }
0xa9: {  	[sflag:s23] =	ssyncset.done $0x0  }
0xaa: {  	[sflag:s23] =	ssyncadd.s32 $0xFFFFFFFF  }
0xab: {  	s5 =	sld [smem:$0x0]  }
0xac: {  	s6 =	sand.u32 $0xFFFFFFFE, s1  }
0xad: {  	p0 =	sne.s32 s1, s6  }
0xae: {  	s6 =	sshll.u32 @p0 s6, $0xE  }
0xaf: {  	s6 =	sadd.s32 @p0 $0x11B8D, s6;
	s7 =	sshll.u32 @p0 s5, $0x11  }
0xb0: {  	s6 =	sor.u32 @p0 s7, s6  }
0xb1: {  	[sflag:s6] =	ssyncadd.remote.s32 @p0 $0x1;
	_ =	sdelay $0x1  }
0xb2: {  	s6 =	simm.s32 @p0 $0x1B8D  }
0xb3: {  	_ =	swait.eq @p0 [sflag:s6], $0x1  }
0xb4: {  	[sflag:s6] =	ssyncadd.s32 @p0 $0xFFFFFFFF  }
0xb5: {  	s7 =	sshll.u32 @!p0 s1, $0xE  }
0xb6: {  	s7 =	sor.u32 @!p0 $0x4000, s7;
	s6 =	simm.s32 @!p0 $0x1B8D  }
0xb7: {  	s5 =	sshll.u32 @!p0 s5, $0x11;
	s7 =	sadd.s32 @!p0 $0x11B8D, s7;
	_ =	swait.eq @!p0 [sflag:s6], $0x1  }
0xb8: {  	s5 =	sor.u32 @!p0 s5, s7;
	[sflag:s6] =	ssyncadd.s32 @!p0 $0xFFFFFFFF  }
0xb9: {  	s25 =	simm.s32 $0x1B8E;
	s24 =	sld [smem:$0x3FFE];
	[sflag:s5] =	ssyncadd.remote.s32 @!p0 $0x1  }
0xba: {  	s26 =	simm.s32 $execute0_lowered;
	[smem:$0x3FD2] =	sst s25  }
0xbb: {  	s6 =	sshll.u32 s26, $0x1;
	_ =	strace $0x80000049;
	[dreg:$0x1] =	wrdreg $0xFFFFFFFF  }
0xbc: {  	s28 =	simm.s32 $_size_execute0_lowered;
	s4 =	sadd.s32 s4, s6;
	[dreg:$0x0] =	wrdreg $0x0  }
0xbd: {  	s6 =	sshll.u32 s28, $0x1;
	[dreg:$0x2] =	wrdreg s4  }
0xbe: {  	[dreg:$0x3] =	wrdreg s6  }
0xbf: {  	[dreg:$0x4] =	wrdreg $0xC0  }
0xc0: {  	_ =	task [dreg:s22], $0x5FFFF  }
0xc1: {  	[dreg:$0x1] =	wrdreg $0xFFFFFFFF  }
0xc2: {  	[dreg:$0x0] =	wrdreg $0x60  }
0xc3: {  	[dreg:$0x2] =	wrdreg s17  }
0xc4: {  	[dreg:$0x3] =	wrdreg s24  }
0xc5: {  	[dreg:$0x4] =	wrdreg $0xA  }
0xc6: {  	_ =	task.clear_ibuf [dreg:s22], $0x5FFFF;
	_ =	strace $0x90000049  }
0xc7: {  	s29 =	simm.s32 $0xA;
	_ =	strace $0x8000004B  }
0xc8: {  	_ =	swait.ge [sflag:s29], $0x1  }
0xc9: {  	[sflag:s29] =	ssyncadd.s32 $0xFFFFFFFF  }
0xca: {  	_ =	strace $0x9000004B  }
0xcb: {  	_ =	sfence  }
0xcc: {  	s30 =	sld [smem:$0x0];
	_ =	sdelay $0x2  }
0xcd: {  	s31 =	sshll.u32 s1, $0xD;
	s1 =	sshrl.u32 s1, $0x2  }
0xce: {  	s4 =	sand.u32 $0x4000, s31;
	s1 =	sadd.s32 s1, s30  }
0xcf: {  	s0 =	sor.u32 s4, s0;
	s1 =	sshll.u32 s1, $0x11  }
0xd0: {  	s0 =	sor.u32 s1, s0  }
0xd1: {  	s0 =	sadd.s32 $0x8F2B, s0  }
0xd2: {  	[sflag:s0] =	ssyncadd.remote.s32 $0x1  }
0xd3: {  	_ =	sfence.sel $0xFFFF  }
0xd4: {  	[dreg:$0x0] =	wrdreg $0xFFFFFFFF;
	(pc) =	sbr.abs _section_cstart, $3  }
0xd5: {  	[dreg:$0x1] =	wrdreg $0xFFFFFFFF  }
0xd6: {  	_ =	task.clear_ibuf [dreg:s22], $0x2FFFF;
	_ =	strace $0x9FFFFFFF  }
0xd7: {  	(tm) =	ssettm $0x7FFFFFFF  }
tec
execute0_lowered:
.L_overlay_start_1:
0x0: {  	(tag) =	ssettag $0x1  }
0x1: {  	s3 =	rddreg [dreg:$0x0]  }
0x2: {  	s4 =	rddreg [dreg:$0x1];
	s2 =	srdreg.scid  }
0x3: {  	s0 =	rddreg [dreg:$0x2];
	s1 =	stileid.u32;
	s9 =	simm.s32 $0x10000  }
0x4: {  	s10 =	simm.s32 $0x0;
	s5 =	sand.u32 $0x1, s2;
	s2 =	simm.s32 $0x0  }
0x5: {  	s6 =	sshll.u32 s1, $0xD;
	s7 =	sshll.u32 s5, $0xC;
	s5 =	ssub.s32 $0x2, s5  }
0x6: {  	[smem:$0x7FF] =	sst s2;
	s6 =	sor.u32 s7, s6;
	s31 =	sshrl.u32 s5, $0x1  }
0x7: {  	_ =	strace $0x8000004A;
	s7 =	sadd.s32 s6, s4;
	s8 =	ssub.s32 s5, s31  }
0x8: {  	v0 =	vlaneseq.u32;
	vm0 =	vmmov $0xff;
	v4 =	vimm.f32 $0.0e+00;
	s3 =	sadd.s32 s3, s6;
	s4 =	sadd.s32 $0x61A00, s7;
	s5 =	sadd.s32 $0x81A00, s7  }
0x9: {  	v1 =	vor.u32 $0x10, v0;
	v2 =	vor.u32 $0x20, v0;
	v3 =	vor.u32 $0x30, v0;
	s6 =	smax.u32 s8, $0x1;
	s7 =	simm.s32 $0x1;
	s8 =	simm.s32 $0x8000  }
.LBB2_1:
0xa: {  	[tilespmem:s2], [sflag:$0x1] =	stream.linear.gather [hbm4b:s3+s2], $0x8000, $0x38;
	[tilespmem:$0x18000] =	vst v63  }
0xb: {  	_ =	swait.ge [sflag:s7], $0x8000  }
0xc: {  	[sflag:s7] =	ssyncset.done $0x0  }
0xd: {  	s11 =	simm.s32 $0x200;
	[sflag:s7] =	ssyncadd.s32 $0xFFFF8000  }
0xe: {  	v5 =	vld [tilespmem:s11+$0xFFFFFEA0]  }
0xf: {  	v6 =	vld [tilespmem:s11+$0x120]  }
0x10: {  	v7 =	vld [tilespmem:s11+$0x130]  }
0x11: {  	v8 =	vld [tilespmem:s11+$0x80]  }
0x12: {  	v9 =	vld [tilespmem:s11+$0xFFFFFEB0]  }
0x13: {  	(xrf1) =	vsort.dscd.msk.f32 $0xffff, v5, v2;
	v5 =	vld [tilespmem:s11+$0x100]  }
0x14: {  	(xrf1) =	vsort.dscd.msk.f32 $0xffff, v6, v2;
	v6 =	vld [tilespmem:s11+$0x30]  }
0x15: {  	(xrf1) =	vsort.ascd.msk.f32 $0xffff, v7, v3;
	v7 =	vld [tilespmem:s11+$0xFFFFFF80]  }
0x16: {  	v10 =	vld [tilespmem:s11+$0xFFFFFF90];
	(xrf1) =	vsort.dscd.msk.f32 $0xffff, v8, v0  }
0x17: {  	v8 =	vld [tilespmem:s11+$0xFFFFFFA0];
	(xrf1) =	vsort.ascd.msk.f32 $0xffff, v9, v3  }
0x18: {  	v9 =	vld [tilespmem:s11+$0xFFFFFF00];
	(xrf1) =	vsort.dscd.msk.f32 $0xffff, v5, v0  }
0x19: {  	v5 =	vld [tilespmem:s11+$0x0];
	(xrf1) =	vsort.ascd.msk.f32 $0xffff, v6, v3  }
0x1a: {  	v6 =	vld [tilespmem:s11+$0xFFFFFE90];
	(xrf1) =	vsort.dscd.msk.f32 $0xffff, v7, v0  }
0x1b: {  	v7 =	vld [tilespmem:s11+$0xFFFFFE80];
	(xrf1) =	vsort.ascd.msk.f32 $0xffff, v10, v1  }
0x1c: {  	v10 =	vld [tilespmem:s11+$0xFFFFFFB0];
	(xrf1) =	vsort.dscd.msk.f32 $0xffff, v8, v2  }
0x1d: {  	v8 =	vld [tilespmem:s11+$0x10];
	(xrf1) =	vsort.dscd.msk.f32 $0xffff, v9, v0  }
0x1e: {  	v9 =	vld [tilespmem:s11+$0xFFFFFE30];
	(xrf1) =	vsort.dscd.msk.f32 $0xffff, v5, v0  }
0x1f: {  	v5 =	vld [tilespmem:s11+$0x20];
	(xrf1) =	vsort.ascd.msk.f32 $0xffff, v6, v1  }
0x20: {  	v6 =	vld [tilespmem:s11+$0xFFFFFE00];
	(xrf1) =	vsort.dscd.msk.f32 $0xffff, v7, v0  }
0x21: {  	v12 =	vld [tilespmem:s11+$0xA0];
	v7, v11, _ =	vpop (xrf1);
	(xrf1) =	vsort.ascd.msk.f32 $0xffff, v10, v3  }
0x22: {  	v10 =	vld [tilespmem:s11+$0x110];
	v13, v14, _ =	vpop (xrf1);
	(xrf1) =	vsort.ascd.msk.f32 $0xffff, v8, v1  }
0x23: {  	v8 =	vld [tilespmem:s11+$0xFFFFFE10];
	v15, v16, _ =	vpop (xrf1);
	(xrf1) =	vsort.ascd.msk.f32 $0xffff, v9, v3  }
0x24: {  	(xrf1) =	vsort.dscd.msk.f32 $0xffff, v5, v2;
	v5, v17, _ =	vpop (xrf1)  }
0x25: {  	(xrf1) =	vsort.dscd.msk.f32 $0xffff, v6, v0;
	v6, v19, _ =	vpop (xrf1)  }
0x26: {  	v9 =	vld [tilespmem:s11+$0x1B0];
	(xrf1) =	vsort.dscd.msk.f32 $0xffff, v12, v2;
	v12, v21, _ =	vpop (xrf1)  }
0x27: {  	v18 =	vld [tilespmem:s11+$0xFFFFFE20];
	v22, v23, _ =	vpop (xrf1);
	(xrf1) =	vsort.ascd.msk.f32 $0xffff, v10, v1  }
0x28: {  	v20 =	vld [tilespmem:s11+$0x1A0];
	(xrf1) =	vsort.ascd.msk.f32 $0xffff, v8, v1;
	v8, v24, _ =	vpop (xrf1)  }
0x29: {  	v26, v27, _ =	vpop (xrf1)  }
0x2a: {  	v10 =	vld [tilespmem:s11+$0xB0];
	v24 =	vsel vm0, v24, v27  }
0x2b: {  	(xrf1) =	vsort.ascd.msk.f32 $0xffff, v9, v3;
	v8 =	vsel vm0, v8, v26  }
0x2c: {  	v25 =	vld [tilespmem:s11+$0x90];
	(xrf1) =	vsort.dscd.msk.f32 $0xffff, v18, v2;
	v9, v18, _ =	vpop (xrf1)  }
0x2d: {  	v26, v27, _ =	vpop (xrf1);
	(xrf1) =	vsort.dscd.msk.f32 $0xffff, v20, v2  }
0x2e: {  	v28 =	vld [tilespmem:s11+$0x190];
	v6 =	vsel vm0, v7, v6;
	v7 =	vsel vm0, v11, v19;
	(xrf1) =	vsort.dscd.msk.f32 $0xffff, v8, v24;
	v8, v24, _ =	vpop (xrf1)  }
0x2f: {  	v20 =	vld [tilespmem:s11+$0x180];
	(xrf1) =	vsort.ascd.msk.f32 $0xffff, v10, v3;
	v10, v29, _ =	vpop (xrf1)  }
0x30: {  	v11, v19, _ =	vpop (xrf1)  }
0x31: {  	(xrf1) =	vsort.ascd.msk.f32 $0xffff, v25, v1;
	v10 =	vsel vm0, v11, v10  }
0x32: {  	(xrf1) =	vsort.ascd.msk.f32 $0xffff, v6, v7;
	v6, v7, _ =	vpop (xrf1)  }
0x33: {  	(xrf1) =	vsort.ascd.msk.f32 $0xffff, v28, v1;
	v25, v28, _ =	vpop (xrf1)  }
0x34: {  	v11 =	vsel vm0, v19, v29;
	(xrf1) =	vsort.dscd.msk.f32 $0xffff, v20, v0;
	v6 =	vsel vm0, v9, v6;
	v19, v20, _ =	vpop (xrf1)  }
0x35: {  	v7 =	vsel vm0, v18, v7;
	(xrf1) =	vsort.dscd.msk.f32 $0xffff, v10, v11;
	v8 =	vsel vm0, v8, v25;
	v9, v10, _ =	vpop (xrf1)  }
0x36: {  	v11 =	vsel vm0, v24, v28;
	v18, v24, _ =	vpop (xrf1);
	(xrf1) =	vsort.ascd.msk.f32 $0xffff, v6, v7;
	v7 =	vsel vm0, v10, v23  }
0x37: {  	v6 =	vsel vm0, v9, v22;
	_ =	sdelay $0x1  }
0x38: {  	(xrf1) =	vsort.dscd.msk.f32 $0xffff, v8, v11;
	v8, v10, _ =	vpop (xrf1)  }
0x39: {  	(xrf1) =	vsort.ascd.msk.f32 $0xffff, v6, v7;
	v6, v7, _ =	vpop (xrf1)  }
0x3a: {  	v7 =	vsel vm0, v21, v7  }
0x3b: {  	v9 =	vld [tilespmem:s11+$0xFFFFFF30];
	v11 =	vsel vm0, v13, v15;
	v13 =	vsel vm0, v14, v16;
	v6 =	vsel vm0, v12, v6;
	v12, v16, _ =	vpop (xrf1)  }
0x3c: {  	v14 =	vld [tilespmem:s11+$0xFFFFFF20];
	(xrf1) =	vsort.ascd.msk.f32 $0xffff, v11, v13;
	v11 =	vsel vm0, v18, v12;
	_ =	sdelay $0x1  }
0x3d: {  	v15 =	vld [tilespmem:s11+$0xFFFFFF10];
	v12 =	vsel vm0, v24, v16;
	(xrf1) =	vsort.dscd.msk.f32 $0xffff, v6, v7;
	v6, v7, _ =	vpop (xrf1)  }
0x3e: {  	(xrf1) =	vsort.dscd.msk.f32 $0xffff, v11, v12;
	v13, v16, _ =	vpop (xrf1)  }
0x3f: {  	(xrf1) =	vsort.ascd.msk.f32 $0xffff, v9, v3;
	v9, v11, _ =	vpop (xrf1)  }
0x40: {  	(xrf1) =	vsort.dscd.msk.f32 $0xffff, v14, v2;
	v12, v14, _ =	vpop (xrf1)  }
0x41: {  	v6 =	vsel vm0, v9, v6;
	v7 =	vsel vm0, v11, v7;
	v9, v11, _ =	vpop (xrf1)  }
0x42: {  	(xrf1) =	vsort.ascd.msk.f32 $0xffff, v15, v1;
	v8 =	vsel vm0, v8, v9;
	v9 =	vsel vm0, v10, v11;
	v10, v11, _ =	vpop (xrf1)  }
0x43: {  	(xrf1) =	vsort.ascd.msk.f32 $0xffff, v6, v7;
	v6 =	vsel vm0, v17, v11  }
0x44: {  	v5 =	vsel vm0, v5, v10;
	_ =	sdelay $0x1  }
0x45: {  	(xrf1) =	vsort.ascd.msk.f32 $0xffff, v8, v9;
	v7, v10, _ =	vpop (xrf1)  }
0x46: {  	(xrf1) =	vsort.dscd.msk.f32 $0xffff, v5, v6;
	v5, v6, _ =	vpop (xrf1)  }
0x47: {  	v8, v9, _ =	vpop (xrf1)  }
0x48: {  	v11 =	vsel vm0, v13, v19;
	v13 =	vsel vm0, v16, v20;
	v15, v16, _ =	vpop (xrf1);
	v6 =	vsel vm0, v9, v6  }
0x49: {  	v5 =	vsel vm0, v8, v5;
	v10 =	vsel vm0, v16, v10  }
0x4a: {  	v7 =	vsel vm0, v15, v7  }
0x4b: {  	(xrf1) =	vsort.ascd.msk.f32 $0xffff, v11, v13;
	v8, v9, _ =	vpop (xrf1)  }
0x4c: {  	(xrf1) =	vsort.dscd.msk.f32 $0xffff, v5, v6;
	v5, v6, _ =	vpop (xrf1)  }
0x4d: {  	v8 =	vsel vm0, v12, v8;
	(xrf1) =	vsort.dscd.msk.f32 $0xffff, v7, v10;
	v7, v10, _ =	vpop (xrf1)  }
0x4e: {  	v6 =	vsel vm0, v6, v10  }
0x4f: {  	v5 =	vsel vm0, v5, v7  }
0x50: {  	v9 =	vsel vm0, v14, v9  }
0x51: {  	(xrf1) =	vsort.dscd.msk.f32 $0xffff, v8, v9;
	v7, v8, _ =	vpop (xrf1)  }
0x52: {  	(xrf1) =	vsort.dscd.msk.f32 $0xffff, v5, v6;
	v5, v6, _ =	vpop (xrf1)  }
0x53: {  	v6 =	vsel vm0, v6, v8  }
0x54: {  	v5 =	vsel vm0, v5, v7  }
0x55: {  	v7, v8, _ =	vpop (xrf1)  }
0x56: {  	v9, v10, _ =	vpop (xrf1)  }
0x57: {  	(xrf1) =	vsort.dscd.msk.f32 $0xffff, v5, v6;
	v5, v6, _ =	vpop (xrf1)  }
0x58: {  	v11, v12, _ =	vpop (xrf1);
	v6 =	vsel vm0, v6, v10  }
0x59: {  	v5 =	vsel vm0, v5, v9;
	v12 =	vsel vm0, v27, v12  }
0x5a: {  	v11 =	vsel vm0, v26, v11  }
0x5b: {  	v9, v10, _ =	vpop (xrf1)  }
0x5c: {  	(xrf1) =	vsort.ascd.msk.f32 $0xffff, v5, v6;
	v5, v6, _ =	vpop (xrf1)  }
0x5d: {  	(xrf1) =	vsort.dscd.msk.f32 $0xffff, v11, v12;
	v11, v12, _ =	vpop (xrf1)  }
0x5e: {  	v5 =	vsel vm0, v11, v5  }
0x5f: {  	v6 =	vsel vm0, v12, v6;
	_ =	sdelay $0x1  }
0x60: {  	(xrf1) =	vsort.dscd.msk.f32 $0xffff, v5, v6;
	v5, v11, _ =	vpop (xrf1)  }
0x61: {  	v6, v12, _ =	vpop (xrf1)  }
0x62: {  	s12 =	simm.s32 $0x10200;
	v13 =	vsel vm0, v7, v5;
	v5, v7, _ =	vpop (xrf1);
	v9 =	vsel vm0, v6, v9  }
0x63: {  	s11 =	simm.s32 $0x8200;
	v8 =	vsel vm0, v8, v11;
	v10 =	vsel vm0, v12, v10;
	[tilespmem:s12+$0xFFFFFE80] =	vst v7;
	v12 =	vmul.f32 $1.442695020e+00, v5;
	v5, v6, _ =	vpop (xrf1)  }
0x64: {  	[tilespmem:s11+$0xFFFFFE80] =	vst v4  }
0x65: {  	(xrf1) =	vsort.dscd.msk.f32 $0xffff, v9, v10;
	v11 =	vmul.f32 $1.442695020e+00, v5;
	[tilespmem:s11+$0xFFFFFE90] =	vst v4;
	v9, v5, _ =	vpop (xrf1);
	(erf) = vpow2.f32 v12  }
0x66: {  	(xrf1) =	vsort.dscd.msk.f32 $0xffff, v13, v8;
	[tilespmem:s11+$0xFFFFFEA0] =	vst v4;
	v9 =	vmul.f32 $1.442695020e+00, v9;
	v8, v17, _ =	vpop (xrf1)  }
0x67: {  	[tilespmem:s11+$0xFFFFFEB0] =	vst v4;
	(erf) = vpow2.f32 v11;
	v8 =	vmul.f32 $1.442695020e+00, v8  }
0x68: {  	[tilespmem:s12+$0xFFFFFF80] =	vst v6;
	(erf) = vpow2.f32 v9  }
0x69: {  	[tilespmem:s11+$0xFFFFFF80] =	vst v4;
	(erf) = vpow2.f32 v8  }
0x6a: {  	[tilespmem:s11+$0xFFFFFF90] =	vst v4;
	v9, v10, _ =	vpop (xrf1)  }
0x6b: {  	[tilespmem:s11+$0xFFFFFFA0] =	vst v4;
	v11, v12, _ =	vpop (xrf1)  }
0x6c: {  	[tilespmem:s11+$0xFFFFFFB0] =	vst v4;
	v9 =	vsel vm0, v11, v9;
	v10 =	vsel vm0, v12, v10  }
0x6d: {  	[tilespmem:s12+$0x0] =	vst v5;
	(xrf1) =	vsort.dscd.msk.f32 $0xffff, v9, v10  }
0x6e: {  	[tilespmem:s12+$0x100] =	vst v17;
	v12 =	vpop (erf)  }
0x6f: {  	[tilespmem:s11+$0x0] =	vst v4;
	v10, v11, _ =	vpop (xrf1)  }
0x70: {  	[tilespmem:s11+$0x10] =	vst v4;
	v13 =	vpop (erf)  }
0x71: {  	[tilespmem:s11+$0x100] =	vst v4;
	v10 =	vmul.f32 $1.442695020e+00, v10;
	v8 =	vpop (erf)  }
0x72: {  	[tilespmem:s11+$0x110] =	vst v4;
	v8 =	vnsel vm0, $0x0, v8;
	v16 =	vpop (erf)  }
0x73: {  	[tilespmem:s11+$0x120] =	vst v4;
	v14, v9, _ =	vpop (xrf1);
	(erf) = vpow2.f32 v10;
	(xrf2) =	vadd.scan.msk.f32 $0xffff, v8;
	v21 =	vnsel vm0, $0x0, v16  }
0x74: {  	[tilespmem:s11+$0x130] =	vst v4;
	v14 =	vmul.f32 $1.442695020e+00, v14;
	(xrf2) =	vadd.scan.msk.f32 $0xffff, v21  }
0x75: {  	[tilespmem:s12+$0x80] =	vst v11;
	v15, v19, _ =	vpop (xrf1);
	v16 =	vnsel vm0, $0x0, v12  }
0x76: {  	[tilespmem:s11+$0x80] =	vst v4;
	v10 =	vmul.f32 $1.442695020e+00, v15;
	(erf) = vpow2.f32 v14;
	(xrf2) =	vadd.scan.msk.f32 $0xffff, v16  }
0x77: {  	[tilespmem:s11+$0x90] =	vst v4  }
0x78: {  	[tilespmem:s11+$0xA0] =	vst v4;
	(erf) = vpow2.f32 v10  }
0x79: {  	[tilespmem:s11+$0xB0] =	vst v4;
	v15 =	vnsel vm0, $0x0, v13  }
0x7a: {  	[tilespmem:s12+$0x180] =	vst v9;
	(xrf2) =	vadd.scan.msk.f32 $0xffff, v15  }
0x7b: {  	[tilespmem:s12+$0xFFFFFE00] =	vst v19;
	v10, v12, _ =	vpop (xrf1)  }
0x7c: {  	[tilespmem:s11+$0x180] =	vst v4;
	v23 =	vpop (erf)  }
0x7d: {  	[tilespmem:s11+$0x190] =	vst v4;
	v10 =	vmul.f32 $1.442695020e+00, v10;
	v13, _, _ =	vpop (xrf2)  }
0x7e: {  	[tilespmem:s11+$0x1A0] =	vst v4;
	v13 =	vbroadcast v13, $0xF;
	v24, _, _ =	vpop (xrf2)  }
0x7f: {  	[tilespmem:s11+$0x1B0] =	vst v4;
	v25 =	vpop (erf);
	(erf) = vpow2.f32 v10;
	v27 =	vbroadcast v24, $0xF;
	v24 =	vnsel vm0, $0x0, v23  }
0x80: {  	[tilespmem:s11+$0xFFFFFE20] =	vst v4;
	v23, _, _ =	vpop (xrf2);
	(erf) = vrcp.f32 v13;
	(xrf2) =	vadd.scan.msk.f32 $0xffff, v24  }
0x81: {  	v18 =	vand.u32 $0xFFFFFF80, v5;
	v20 =	vand.u32 $0xFFFFFF80, v17;
	v17 =	vand.u32 $0x7F, v17;
	[tilespmem:s11+$0xFFFFFE00] =	vst v4;
	v28 =	vpop (erf)  }
0x82: {  	v22 =	vand.u32 $0x7F, v19;
	[tilespmem:s11+$0xFFFFFE30] =	vst v4;
	(erf) = vrcp.f32 v27;
	v27 =	vnsel vm0, $0x0, v28  }
0x83: {  	s13 =	simm.s32 $0x80;
	v26 =	vand.u32 $0xFFFFFF80, v19;
	[tilespmem:s11+$0xFFFFFE10] =	vst v4;
	v14 =	vand.u32 $0xFFFFFF80, v7;
	(xrf2) =	vadd.scan.msk.f32 $0xffff, v27  }
0x84: {  	v14 =	vadd.s32 s13, v14;
	[tilespmem:s12+$0xFFFFFF00] =	vst v12;
	v19 =	vand.u32 $0xFFFFFF80, v12;
	v29 =	vbroadcast v23, $0xF;
	v23, _, _ =	vpop (xrf2)  }
0x85: {  	s26 =	simm.s32 $0x180;
	s31 =	simm.s32 $0x100;
	[tilespmem:s11+$0xFFFFFF00] =	vst v4;
	v10 =	vand.u32 $0xFFFFFF80, v6;
	v28 =	vbroadcast v23, $0xF;
	v23 =	vnsel vm0, $0x0, v25  }
0x86: {  	s14 =	simm.s32 $0x200;
	s28 =	simm.s32 $0x300;
	v19 =	vadd.s32 s31, v19;
	v13 =	vadd.s32 s26, v10;
	(erf) = vrcp.f32 v29;
	(xrf2) =	vadd.scan.msk.f32 $0xffff, v23  }
0x87: {  	s29 =	simm.s32 $0x280;
	[tilespmem:s11+$0xFFFFFF10] =	vst v4;
	v10 =	vadd.s32 s14, v18;
	v18 =	vadd.s32 s28, v20;
	v20 =	vand.u32 $0xFFFFFF80, v11  }
0x88: {  	s30 =	simm.s32 $0x380;
	s17 =	simm.s32 $0x0;
	[tilespmem:s11+$0xFFFFFF20] =	vst v4;
	v18 =	vor.u32 v17, v18;
	v20 =	vadd.s32 s29, v20;
	v17 =	vand.u32 $0xFFFFFF80, v9;
	v25 =	vpop (erf)  }
0x89: {  	s15 =	simm.s32 $0x8200;
	s13 =	simm.s32 $0x8;
	[tilespmem:s11+$0xFFFFFF30] =	vst v4;
	s14 =	simm.s32 $0x600;
	v17 =	vadd.s32 s30, v17;
	(erf) = vrcp.f32 v28;
	v25 =	vnsel vm0, $0x0, v25;
	v28 =	vpop (erf)  }
.LBB2_2:
0x8a: {  	v29 =	vld [tilespmem:s14+$0x80];
	p0 =	slt.u32 s13, $0xF8;
	[tilespmem:s11+$0x20] =	vst v4;
	s15 =	sadd.s32 $0x400, s15;
	s12 =	sadd.s32 $0x400, s12;
	v30, _, _ =	vpop (xrf2)  }
0x8b: {  	s16 =	smov.u32 s13;
	s13 =	sadd.s32 $0x8, s13;
	v31 =	vld [tilespmem:s14+$0xFFFFFE90];
	[tilespmem:s11+$0x30] =	vst v4;
	v30 =	vbroadcast v30, $0xF;
	(xrf2) =	vadd.scan.msk.f32 $0xffff, v25;
	s11 =	smov.u32 s15  }
0x8c: {  	v7 =	vand.u32 $0x7F, v7;
	v32 =	vld [tilespmem:s14+$0xFFFFFEA0];
	v33 =	vpop (erf)  }
0x8d: {  	v7 =	vor.u32 v7, v14;
	v34 =	vld [tilespmem:s14+$0x120];
	v35 =	vmul.f32 v33, v21;
	v21, _, _ =	vpop (xrf2);
	(erf) = vrcp.f32 v30  }
0x8e: {  	v30 =	vld [tilespmem:s14+$0x130];
	v21 =	vbroadcast v21, $0xF  }
0x8f: {  	v6 =	vand.u32 $0x7F, v6;
	v33 =	vld [tilespmem:s14+$0xFFFFFEB0];
	[tilespmem:v18+s8+$0x0] =	vst.idx.msk $0xff, v35;
	v14 =	vpop (erf)  }
0x90: {  	v6 =	vor.u32 v6, v13;
	v18 =	vld [tilespmem:s14+$0xFFFFFF00];
	v14 =	vmul.f32 v14, v16;
	(erf) = vrcp.f32 v21;
	v13, _, _ =	vpop (xrf2)  }
0x91: {  	v16 =	vld [tilespmem:s14+$0x110];
	(xrf1) =	vsort.dscd.msk.f32 $0xffff, v32, v2;
	v13 =	vbroadcast v13, $0xF  }
0x92: {  	v21 =	vld [tilespmem:s14+$0x100];
	(xrf1) =	vsort.dscd.msk.f32 $0xffff, v34, v2;
	[tilespmem:v7+s8+$0x0] =	vst.idx.msk $0xff, v14;
	v7 =	vpop (erf)  }
0x93: {  	v11 =	vand.u32 $0x7F, v11;
	v14 =	vld [tilespmem:s14+$0x30];
	(xrf1) =	vsort.ascd.msk.f32 $0xffff, v30, v3;
	v7 =	vmul.f32 v7, v15;
	(erf) = vrcp.f32 v13  }
0x94: {  	v11 =	vor.u32 v11, v20;
	v13 =	vld [tilespmem:s14+$0xFFFFFF80]  }
0x95: {  	v15 =	vld [tilespmem:s14+$0xFFFFFF90];
	(xrf1) =	vsort.dscd.msk.f32 $0xffff, v29, v0;
	[tilespmem:v6+s8+$0x0] =	vst.idx.msk $0xff, v7;
	v6, _, _ =	vpop (xrf2)  }
0x96: {  	v20 =	vadd.s32 s17, v26;
	v7 =	vld [tilespmem:s14+$0xFFFFFFA0];
	(xrf1) =	vsort.ascd.msk.f32 $0xffff, v33, v3;
	v6 =	vbroadcast v6, $0xF;
	v26 =	vpop (erf)  }
0x97: {  	v5 =	vand.u32 $0x7F, v5;
	v20 =	vor.u32 v22, v20;
	v29 =	vld [tilespmem:s14+$0x10];
	(xrf1) =	vsort.dscd.msk.f32 $0xffff, v21, v0;
	v21 =	vmul.f32 v26, v24  }
0x98: {  	v5 =	vor.u32 v5, v10;
	v22 =	vld [tilespmem:s14+$0x0];
	(xrf1) =	vsort.ascd.msk.f32 $0xffff, v14, v3  }
0x99: {  	v9 =	vand.u32 $0x7F, v9;
	v10 =	vld [tilespmem:s14+$0xFFFFFFB0];
	(xrf1) =	vsort.dscd.msk.f32 $0xffff, v13, v0;
	[tilespmem:v11+s8+$0x0] =	vst.idx.msk $0xff, v21;
	v11 =	vpop (erf);
	(erf) = vrcp.f32 v6  }
0x9a: {  	v9 =	vor.u32 v9, v17;
	v6 =	vld [tilespmem:s14+$0xFFFFFE80];
	(xrf1) =	vsort.ascd.msk.f32 $0xffff, v15, v1;
	v14 =	vmul.f32 v11, v27  }
0x9b: {  	v13 =	vld [tilespmem:s14+$0xFFFFFE30];
	(xrf1) =	vsort.dscd.msk.f32 $0xffff, v7, v2  }
0x9c: {  	v17 =	vmul.f32 v28, v8;
	v7 =	vld [tilespmem:s14+$0xFFFFFE20];
	(xrf1) =	vsort.dscd.msk.f32 $0xffff, v18, v0;
	[tilespmem:v20+s8+$0x0] =	vst.idx.msk $0xff, v14;
	v11 =	vpop (erf)  }
0x9d: {  	v14 =	vld [tilespmem:s14+$0xFFFFFE10];
	(xrf1) =	vsort.dscd.msk.f32 $0xffff, v22, v0;
	v18 =	vmul.f32 v11, v23  }
0x9e: {  	v15 =	vld [tilespmem:s14+$0x20];
	(xrf1) =	vsort.ascd.msk.f32 $0xffff, v31, v1;
	[tilespmem:v5+s8+$0x0] =	vst.idx.msk $0xff, v17  }
0x9f: {  	v12 =	vand.u32 $0x7F, v12;
	v5 =	vld [tilespmem:s14+$0xFFFFFE00];
	(xrf1) =	vsort.dscd.msk.f32 $0xffff, v6, v0;
	v6, v8, _ =	vpop (xrf1);
	[tilespmem:v9+s8+$0x0] =	vst.idx.msk $0xff, v18  }
0xa0: {  	v12 =	vor.u32 v12, v19;
	v9 =	vld [tilespmem:s14+$0xA0];
	(xrf1) =	vsort.ascd.msk.f32 $0xffff, v10, v3;
	v10, v11, _ =	vpop (xrf1)  }
0xa1: {  	v17 =	vld [tilespmem:s14+$0x1B0];
	(xrf1) =	vsort.ascd.msk.f32 $0xffff, v29, v1;
	v18, v19, _ =	vpop (xrf1)  }
0xa2: {  	v10 =	vsel vm0, v10, v18;
	v18 =	vld [tilespmem:s14+$0x190];
	(xrf1) =	vsort.ascd.msk.f32 $0xffff, v13, v3;
	v13 =	vpop (erf)  }
0xa3: {  	v11 =	vsel vm0, v11, v19;
	v19 =	vld [tilespmem:s14+$0x1A0];
	(xrf1) =	vsort.dscd.msk.f32 $0xffff, v15, v2;
	v15, v20, _ =	vpop (xrf1);
	v25 =	vmul.f32 v13, v25  }
0xa4: {  	v21 =	vld [tilespmem:s14+$0x90];
	(xrf1) =	vsort.dscd.msk.f32 $0xffff, v5, v0;
	v5, v22, _ =	vpop (xrf1)  }
0xa5: {  	(xrf1) =	vsort.dscd.msk.f32 $0xffff, v9, v2;
	v9, v23, _ =	vpop (xrf1);
	[tilespmem:v12+s8+$0x0] =	vst.idx.msk $0xff, v25  }
0xa6: {  	v12, v13, _ =	vpop (xrf1);
	(xrf1) =	vsort.ascd.msk.f32 $0xffff, v16, v1  }
0xa7: {  	v16 =	vld [tilespmem:s14+$0xB0];
	(xrf1) =	vsort.ascd.msk.f32 $0xffff, v14, v1;
	v14, v24, _ =	vpop (xrf1)  }
0xa8: {  	v25, v26, _ =	vpop (xrf1);
	(xrf1) =	vsort.ascd.msk.f32 $0xffff, v17, v3  }
0xa9: {  	v29 =	vsel vm0, v14, v25;
	v27 =	vsel vm0, v24, v26;
	(xrf1) =	vsort.dscd.msk.f32 $0xffff, v7, v2;
	v7, v24, _ =	vpop (xrf1)  }
0xaa: {  	v25, v26, _ =	vpop (xrf1);
	(xrf1) =	vsort.dscd.msk.f32 $0xffff, v19, v2  }
0xab: {  	v5 =	vsel vm0, v6, v5;
	v28 =	vsel vm0, v8, v22;
	v8 =	vld [tilespmem:s14+$0x180];
	(xrf1) =	vsort.dscd.msk.f32 $0xffff, v29, v27;
	v14, v17, _ =	vpop (xrf1)  }
0xac: {  	v19, v22, _ =	vpop (xrf1);
	(xrf1) =	vsort.ascd.msk.f32 $0xffff, v16, v3  }
0xad: {  	v16, v27, _ =	vpop (xrf1);
	(xrf1) =	vsort.ascd.msk.f32 $0xffff, v21, v1  }
0xae: {  	v16 =	vsel vm0, v16, v19;
	v22 =	vsel vm0, v27, v22;
	(xrf1) =	vsort.ascd.msk.f32 $0xffff, v5, v28;
	v5, v6, _ =	vpop (xrf1)  }
0xaf: {  	v5 =	vsel vm0, v7, v5;
	v6 =	vsel vm0, v24, v6;
	v7, v21, _ =	vpop (xrf1);
	(xrf1) =	vsort.ascd.msk.f32 $0xffff, v18, v1  }
0xb0: {  	v24 =	vsel vm0, v14, v7;
	v14 =	vsel vm0, v17, v21;
	v17, v18, _ =	vpop (xrf1);
	(xrf1) =	vsort.dscd.msk.f32 $0xffff, v8, v0  }
0xb1: {  	(xrf1) =	vsort.dscd.msk.f32 $0xffff, v16, v22;
	v16, v19, _ =	vpop (xrf1)  }
0xb2: {  	v8 =	vld [tilespmem:s14+$0xFFFFFF20];
	v12 =	vsel vm0, v16, v12  }
0xb3: {  	v21 =	vld [tilespmem:s14+$0xFFFFFF10];
	v22 =	vsel vm0, v19, v13;
	v16, v19, _ =	vpop (xrf1);
	(xrf1) =	vsort.ascd.msk.f32 $0xffff, v5, v6  }
0xb4: {  	v5 =	vld [tilespmem:s14+$0xFFFFFF30];
	(xrf1) =	vsort.dscd.msk.f32 $0xffff, v24, v14;
	v6, v7, _ =	vpop (xrf1)  }
0xb5: {  	(xrf1) =	vsort.ascd.msk.f32 $0xffff, v12, v22;
	v12, v13, _ =	vpop (xrf1)  }
0xb6: {  	v24 =	vsel vm0, v9, v12;
	v22 =	vsel vm0, v23, v13;
	v13, v14, _ =	vpop (xrf1);
	(xrf1) =	vsort.ascd.msk.f32 $0xffff, v10, v11  }
0xb7: {  	v10 =	vsel vm0, v16, v13;
	v11 =	vsel vm0, v19, v14;
	(xrf1) =	vsort.dscd.msk.f32 $0xffff, v24, v22;
	v9, v12, _ =	vpop (xrf1)  }
0xb8: {  	v16, v14, _ =	vpop (xrf1);
	(xrf1) =	vsort.dscd.msk.f32 $0xffff, v10, v11  }
0xb9: {  	v10 =	vsel vm0, v16, v17;
	v11 =	vsel vm0, v14, v18;
	(xrf1) =	vsort.ascd.msk.f32 $0xffff, v5, v3;
	v5, v13, _ =	vpop (xrf1)  }
0xba: {  	v5 =	vsel vm0, v5, v9;
	v9 =	vsel vm0, v13, v12;
	(xrf1) =	vsort.dscd.msk.f32 $0xffff, v8, v2;
	v8, v12, _ =	vpop (xrf1)  }
0xbb: {  	(xrf1) =	vsort.ascd.msk.f32 $0xffff, v21, v1;
	v13, v14, _ =	vpop (xrf1)  }
0xbc: {  	v17 =	vsel vm0, v6, v13;
	v7 =	vsel vm0, v7, v14;
	v13, v14, _ =	vpop (xrf1);
	(xrf1) =	vsort.ascd.msk.f32 $0xffff, v5, v9  }
0xbd: {  	v15 =	vsel vm0, v15, v13;
	v16 =	vsel vm0, v20, v14;
	v13, v14, _ =	vpop (xrf1);
	(xrf1) =	vsort.ascd.msk.f32 $0xffff, v17, v7  }
0xbe: {  	(xrf1) =	vsort.dscd.msk.f32 $0xffff, v15, v16;
	v5, v6, _ =	vpop (xrf1)  }
0xbf: {  	(xrf1) =	vsort.ascd.msk.f32 $0xffff, v10, v11;
	v7, v9, _ =	vpop (xrf1)  }
0xc0: {  	v5 =	vsel vm0, v7, v5;
	v15 =	vsel vm0, v9, v6;
	v7, v9, _ =	vpop (xrf1)  }
0xc1: {  	v13 =	vsel vm0, v7, v13;
	v9 =	vsel vm0, v9, v14;
	v10, v11, _ =	vpop (xrf1);
	(xrf1) =	vsort.dscd.msk.f32 $0xffff, v5, v15  }
0xc2: {  	v14 =	vsel vm0, v8, v10;
	v10 =	vsel vm0, v12, v11;
	(xrf1) =	vsort.dscd.msk.f32 $0xffff, v13, v9;
	v7, v8, _ =	vpop (xrf1)  }
0xc3: {  	v5, v6, _ =	vpop (xrf1)  }
0xc4: {  	(xrf1) =	vsort.dscd.msk.f32 $0xffff, v14, v10;
	v10 =	vsel vm0, v7, v5  }
0xc5: {  	v9 =	vsel vm0, v8, v6;
	v7, v8, _ =	vpop (xrf1)  }
0xc6: {  	(xrf1) =	vsort.dscd.msk.f32 $0xffff, v10, v9;
	v5, v6, _ =	vpop (xrf1)  }
0xc7: {  	v12 =	vsel vm0, v5, v7;
	v11 =	vsel vm0, v6, v8;
	v7, v8, _ =	vpop (xrf1)  }
0xc8: {  	v9, v10, _ =	vpop (xrf1);
	(xrf1) =	vsort.dscd.msk.f32 $0xffff, v12, v11  }
0xc9: {  	v5, v6, _ =	vpop (xrf1)  }
0xca: {  	v15 =	vsel vm0, v5, v9;
	v13 =	vsel vm0, v6, v10;
	v9, v10, _ =	vpop (xrf1)  }
0xcb: {  	v16 =	vsel vm0, v25, v9;
	v14 =	vsel vm0, v26, v10;
	v11, v12, _ =	vpop (xrf1)  }
0xcc: {  	(xrf1) =	vsort.ascd.msk.f32 $0xffff, v15, v13;
	v5, v6, _ =	vpop (xrf1)  }
0xcd: {  	(xrf1) =	vsort.dscd.msk.f32 $0xffff, v16, v14;
	v9, v10, _ =	vpop (xrf1)  }
0xce: {  	v14 =	vsel vm0, v9, v5;
	v13 =	vsel vm0, v10, v6;
	v9, v10, _ =	vpop (xrf1)  }
0xcf: {  	v9 =	vsel vm0, v7, v9;
	v8 =	vsel vm0, v8, v10;
	(xrf1) =	vsort.dscd.msk.f32 $0xffff, v14, v13  }
0xd0: {  	v5, v6, _ =	vpop (xrf1)  }
0xd1: {  	v5 =	vsel vm0, v5, v11  }
0xd2: {  	s17 =	sshll.u32 s16, $0x7;
	v10 =	vsel vm0, v6, v12;
	v14, v7, _ =	vpop (xrf1)  }
0xd3: {  	s16 =	sadd.s32 $0x80, s17;
	[tilespmem:s12+$0xFFFFFE80] =	vst v7;
	v15 =	vmul.f32 $1.442695020e+00, v14;
	v12 =	vand.u32 $0xFFFFFF80, v7;
	v13, v6, _ =	vpop (xrf1)  }
0xd4: {  	v14 =	vadd.s32 s16, v12;
	v12 =	vmul.f32 $1.442695020e+00, v13;
	v13 =	vand.u32 $0xFFFFFF80, v6;
	s16 =	sadd.s32 $0x180, s17;
	(xrf1) =	vsort.dscd.msk.f32 $0xffff, v5, v10  }
0xd5: {  	[tilespmem:s15+$0xFFFFFE80] =	vst v4;
	v13 =	vadd.s32 s16, v13;
	v10, v5, _ =	vpop (xrf1)  }
0xd6: {  	[tilespmem:s15+$0xFFFFFE90] =	vst v4;
	v10 =	vmul.f32 $1.442695020e+00, v10;
	(xrf1) =	vsort.dscd.msk.f32 $0xffff, v9, v8;
	(erf) = vpow2.f32 v15  }
0xd7: {  	v8 =	vand.u32 $0xFFFFFF80, v5;
	[tilespmem:s15+$0xFFFFFEA0] =	vst v4;
	(erf) = vpow2.f32 v12;
	v9, v11, _ =	vpop (xrf1)  }
0xd8: {  	s18 =	sadd.s32 $0x300, s17;
	s16 =	sadd.s32 $0x200, s17;
	[tilespmem:s12+$0x100] =	vst v11;
	v16 =	vmul.f32 $1.442695020e+00, v9;
	v12 =	vand.u32 $0xFFFFFF80, v11;
	(erf) = vpow2.f32 v10  }
0xd9: {  	v10 =	vadd.s32 s16, v8;
	v15 =	vand.u32 $0x7F, v11;
	[tilespmem:s15+$0x100] =	vst v4;
	v11 =	vadd.s32 s18, v12  }
0xda: {  	[tilespmem:s15+$0x110] =	vst v4;
	v18 =	vor.u32 v15, v11;
	(erf) = vpow2.f32 v16  }
0xdb: {  	[tilespmem:s15+$0x120] =	vst v4;
	v8, v9, _ =	vpop (xrf1)  }
0xdc: {  	[tilespmem:s15+$0x130] =	vst v4;
	v11, v12, _ =	vpop (xrf1)  }
0xdd: {  	[tilespmem:s15+$0xFFFFFEB0] =	vst v4;
	v15 =	vsel vm0, v11, v8;
	v9 =	vsel vm0, v12, v9  }
0xde: {  	[tilespmem:s12+$0xFFFFFF80] =	vst v6;
	(xrf1) =	vsort.dscd.msk.f32 $0xffff, v15, v9;
	v8, v11, _ =	vpop (xrf1)  }
0xdf: {  	s16 =	sadd.s32 $0x280, s17;
	[tilespmem:s12+$0x80] =	vst v11;
	v8 =	vmul.f32 $1.442695020e+00, v8;
	v15 =	vand.u32 $0xFFFFFF80, v11;
	v12 =	vpop (erf)  }
0xe0: {  	v16 =	vnsel vm0, $0x0, v12;
	[tilespmem:s15+$0x80] =	vst v4;
	v20 =	vadd.s32 s16, v15;
	v9 =	vpop (erf)  }
0xe1: {  	v15 =	vnsel vm0, $0x0, v9;
	[tilespmem:s15+$0x90] =	vst v4;
	v17 =	vpop (erf);
	(erf) = vpow2.f32 v8  }
0xe2: {  	v8 =	vnsel vm0, $0x0, v17;
	[tilespmem:s15+$0xA0] =	vst v4;
	v12, v9, _ =	vpop (xrf1)  }
0xe3: {  	s16 =	sadd.s32 $0x380, s17;
	[tilespmem:s15+$0xB0] =	vst v4;
	v12 =	vmul.f32 $1.442695020e+00, v12;
	v17 =	vand.u32 $0xFFFFFF80, v9;
	(xrf2) =	vadd.scan.msk.f32 $0xffff, v8;
	v19 =	vpop (erf)  }
0xe4: {  	v21 =	vnsel vm0, $0x0, v19;
	[tilespmem:s12+$0x180] =	vst v9;
	v17 =	vadd.s32 s16, v17;
	v19, v23, _ =	vpop (xrf1)  }
0xe5: {  	[tilespmem:s12+$0xFFFFFE00] =	vst v23;
	v19 =	vmul.f32 $1.442695020e+00, v19;
	v22 =	vand.u32 $0x7F, v23;
	(erf) = vpow2.f32 v12  }
0xe6: {  	v26 =	vand.u32 $0xFFFFFF80, v23;
	[tilespmem:s15+$0xFFFFFE20] =	vst v4;
	(xrf2) =	vadd.scan.msk.f32 $0xffff, v21  }
0xe7: {  	[tilespmem:s15+$0xFFFFFE00] =	vst v4  }
0xe8: {  	[tilespmem:s15+$0xFFFFFE30] =	vst v4;
	(erf) = vpow2.f32 v19  }
0xe9: {  	[tilespmem:s15+$0xFFFFFE10] =	vst v4;
	(xrf2) =	vadd.scan.msk.f32 $0xffff, v16  }
0xea: {  	[tilespmem:s15+$0x180] =	vst v4;
	v12 =	vpop (erf)  }
0xeb: {  	v24 =	vnsel vm0, $0x0, v12;
	[tilespmem:s15+$0x190] =	vst v4  }
0xec: {  	[tilespmem:s15+$0x1A0] =	vst v4;
	v19, v12, _ =	vpop (xrf1);
	(xrf2) =	vadd.scan.msk.f32 $0xffff, v15  }
0xed: {  	s16 =	sadd.s32 $0x100, s17;
	[tilespmem:s12+$0xFFFFFF00] =	vst v12;
	v28 =	vmul.f32 $1.442695020e+00, v19;
	v19 =	vand.u32 $0xFFFFFF80, v12;
	v23, _, _ =	vpop (xrf2)  }
0xee: {  	[tilespmem:s15+$0xFFFFFF00] =	vst v4;
	v19 =	vadd.s32 s16, v19;
	v29 =	vbroadcast v23, $0xF;
	v23 =	vpop (erf)  }
0xef: {  	[tilespmem:s15+$0xFFFFFF10] =	vst v4;
	v23 =	vnsel vm0, $0x0, v23;
	(erf) = vpow2.f32 v28  }
0xf0: {  	[tilespmem:s15+$0xFFFFFF20] =	vst v4;
	(erf) = vrcp.f32 v29;
	(xrf2) =	vadd.scan.msk.f32 $0xffff, v24;
	v25, _, _ =	vpop (xrf2)  }
0xf1: {  	[tilespmem:s15+$0xFFFFFF30] =	vst v4;
	v25 =	vbroadcast v25, $0xF;
	v27 =	vpop (erf)  }
0xf2: {  	v27 =	vnsel vm0, $0x0, v27;
	[tilespmem:s15+$0x1B0] =	vst v4  }
0xf3: {  	[tilespmem:s15+$0xFFFFFF80] =	vst v4;
	(xrf2) =	vadd.scan.msk.f32 $0xffff, v27;
	v28, _, _ =	vpop (xrf2);
	(erf) = vrcp.f32 v25  }
0xf4: {  	v28 =	vbroadcast v28, $0xF;
	[tilespmem:s15+$0xFFFFFF90] =	vst v4  }
.Ltmp0:
0xf5: {  	[tilespmem:s15+$0xFFFFFFA0] =	vst v4;
	(pc) =	sbr.rel @p0 .LBB2_2-.Ltmp0, $4  }
0xf6: {  	[tilespmem:s15+$0xFFFFFFB0] =	vst v4;
	(erf) = vrcp.f32 v28;
	v25, _, _ =	vpop (xrf2);
	(xrf2) =	vadd.scan.msk.f32 $0xffff, v23  }
0xf7: {  	v29 =	vbroadcast v25, $0xF;
	[tilespmem:s12+$0x0] =	vst v5  }
0xf8: {  	[tilespmem:s15+$0x0] =	vst v4;
	v25 =	vpop (erf)  }
0xf9: {  	s14 =	sadd.s32 $0x400, s14;
	v25 =	vnsel vm0, $0x0, v25;
	[tilespmem:s15+$0x10] =	vst v4;
	(erf) = vrcp.f32 v29;
	v28 =	vpop (erf)  }
0xfa: {  	(xrf2) =	vadd.scan.msk.f32 $0xffff, v25;
	_ =	sdelay $0x5  }
0xfb: {  	v29, _, _ =	vpop (xrf2)  }
0xfc: {  	v29 =	vbroadcast v29, $0xF;
	v30, _, _ =	vpop (xrf2)  }
0xfd: {  	v30 =	vbroadcast v30, $0xF  }
0xfe: {  	(erf) = vrcp.f32 v29;
	v51, _, _ =	vpop (xrf2)  }
0xff: {  	(erf) = vrcp.f32 v30;
	v29 =	vbroadcast v51, $0xF;
	v52, _, _ =	vpop (xrf2)  }
0x100: {  	v30 =	vbroadcast v52, $0xF  }
0x101: {  	(erf) = vrcp.f32 v29  }
0x102: {  	v7 =	vand.u32 $0x7F, v7;
	(erf) = vrcp.f32 v30  }
0x103: {  	v6 =	vand.u32 $0x7F, v6;
	v7 =	vor.u32 v7, v14  }
0x104: {  	v11 =	vand.u32 $0x7F, v11;
	v6 =	vor.u32 v6, v13;
	v53 =	vpop (erf)  }
0x105: {  	[tilespmem:s11+$0x20] =	vst v4;
	v55 =	vadd.s32 s17, v26;
	v11 =	vor.u32 v11, v20;
	v14 =	vmul.f32 v53, v21;
	v54 =	vpop (erf)  }
0x106: {  	[tilespmem:s11+$0x30] =	vst v4;
	v5 =	vand.u32 $0x7F, v5;
	v57 =	vor.u32 v22, v55;
	v13 =	vmul.f32 v54, v16;
	v56 =	vpop (erf)  }
0x107: {  	v9 =	vand.u32 $0x7F, v9;
	v5 =	vor.u32 v5, v10;
	[tilespmem:v18+s8+$0x0] =	vst.idx.msk $0xff, v14;
	v59 =	vmul.f32 v56, v15;
	v58 =	vpop (erf)  }
0x108: {  	v12 =	vand.u32 $0x7F, v12;
	v9 =	vor.u32 v9, v17;
	[tilespmem:v7+s8+$0x0] =	vst.idx.msk $0xff, v13;
	v7 =	vmul.f32 v58, v24;
	v60 =	vpop (erf)  }
0x109: {  	v61 =	vor.u32 v12, v19;
	[tilespmem:v6+s8+$0x0] =	vst.idx.msk $0xff, v59;
	v6 =	vmul.f32 v60, v27  }
0x10a: {  	[tilespmem:v11+s8+$0x0] =	vst.idx.msk $0xff, v7;
	v7 =	vmul.f32 v28, v8;
	v62 =	vpop (erf)  }
0x10b: {  	[tilespmem:v57+s8+$0x0] =	vst.idx.msk $0xff, v6;
	v6 =	vmul.f32 v62, v23;
	v63 =	vpop (erf)  }
0x10c: {  	[tilespmem:v5+s8+$0x0] =	vst.idx.msk $0xff, v7;
	v5 =	vmul.f32 v63, v25  }
0x10d: {  	[tilespmem:v9+s8+$0x0] =	vst.idx.msk $0xff, v6  }
0x10e: {  	[tilespmem:v61+s8+$0x0] =	vst.idx.msk $0xff, v5  }
0x10f: {  	[hbm4b:s4+s2] =	stream.linear.scatter [tilespmem:s8], [sflag:$0x1], $0x8000, $0x38;
	[tilespmem:$0x18000] =	vst v63  }
0x110: {  	s10 =	sadd.s32 $0x1, s10;
	_ =	swait.ge [sflag:s7], $0x8000  }
0x111: {  	p0 =	sne.s32 s10, s6;
	[sflag:s7] =	ssyncset.done $0x0  }
.Ltmp1:
0x112: {  	[sflag:s7] =	ssyncadd.s32 $0xFFFF8000;
	(pc) =	sbr.rel @p0 .LBB2_1-.Ltmp1, $4  }
0x113: {  	[hbm4b:s5+s2] =	stream.linear.scatter [tilespmem:s9], [sflag:$0x1], $0x8000, $0x38;
	[tilespmem:$0x18000] =	vst v63  }
0x114: {  	_ =	swait.ge [sflag:s7], $0x8000  }
0x115: {  	[sflag:s7] =	ssyncset.done $0x0  }
0x116: {  	[sflag:s7] =	ssyncadd.s32 $0xFFFF8000  }
0x117: {  	_ =	sfence.sel $0x180000  }
0x118: {  	[bflag:$0x0] =	sbarrier.arrive $0xFFFF  }
0x119: {  	p0 =	sne.s32 s1, $0x0;
	_ =	strace $0x9000004A  }
0x11a: {  	s0 =	sadd.s32 @!p0 $0x100000, s0;
	[bflag:$0x2] =	sbarrier.arrive $0xFFFF  }
0x11b: {  	[sflag:s0] =	ssyncadd.tile.s32 @!p0 $0x1;
	_ =	shalt  }
.Lfunc_end2:
_tile_overlayer_lowered:
.L_overlay_start_2:
0x11c: {  	(tag) =	ssettag $0x2  }
0x11d: {  	s0 =	rddreg [dreg:$0x0];
	s2 =	stileid.u32  }
0x11e: {  	s1 =	rddreg [dreg:$0x1];
	p0 =	sne.s32 s2, $0x0  }
0x11f: {  	s3 =	rddreg [dreg:$0x2];
	[bflag:$0x3] =	sbarrier.arrive $0xFFFF;
	s2 =	simm.s32 @!p0 $0x1C01  }
0x120: {  	[timem:s3], [sflag:s2] =	dma.local @!p0 [hbm:s0], s1  }
0x121: {  	s0 =	simm.s32 @!p0 $0x1  }
0x122: {  	_ =	swait.ge @!p0 [sflag:s0], s1  }
0x123: {  	s1 =	ssub.s32 @!p0 $0x0, s1;
	[sflag:s0] =	ssyncset.done @!p0 $0x0  }
0x124: {  	[sflag:s0] =	ssyncadd.s32 @!p0 s1  }
0x125: {  	[bflag:$0x3] =	sbarrier.arrive $0xFFFF  }
0x126: {  	_ =	shalt  }

</sc_bundles>
